<compile_context>
chip_gen: v7x
topology: tpu7x:2x2x1
jax: 0.10.2.dev20260603
libtpu: 0.0.44.dev20260713+nightly
codegen_flags: <defaults>
</compile_context>

<pallas_src>
import math

import jax
import jax.numpy as jnp
from jax import lax
from jax.experimental import pallas as pl
from jax.experimental.pallas import tpu as pltpu
from jax.experimental.pallas import tpu_sc as plsc

VOCAB_SIZE = 100000
D_MODEL = 128
BATCH = 4096
SEQ_LEN = 50
SCALE = math.sqrt(D_MODEL)

NC = 2
NS = 16
NW = NC * NS

CHUNK = BATCH // NW
NBUF = 5


def _body(x_hbm, w_hbm, out_hbm, idx_v, rows_v, gsem, ssem):
    wid = lax.axis_index("s") * NC + lax.axis_index("c")
    pltpu.sync_copy(x_hbm.at[:, wid], idx_v)

    def gather(l, buf, wait):
        src = w_hbm.at[idx_v.at[l]]
        dst = rows_v.at[buf]
        if wait:
            pltpu.make_async_copy(src, dst, gsem).wait()
        else:
            pltpu.async_copy(src, dst, gsem)

    def scatter(l, buf, wait):
        src = rows_v.at[buf]
        dst = out_hbm.at[pl.ds(l * BATCH + wid * CHUNK, CHUNK)]
        if wait:
            pltpu.make_async_copy(src, dst, ssem).wait()
        else:
            pltpu.async_copy(src, dst, ssem)

    for b in range(NBUF - 1):
        gather(b, b, wait=False)

    @pl.loop(0, SEQ_LEN, step=NBUF)
    def outer(l0):
        for k in range(NBUF):
            l = l0 + k
            prev = (k - 1) % NBUF
            gather(l, k, wait=True)

            @pl.when(l > 0)
            def _():
                scatter(l - 1, prev, wait=True)

            @pl.when(l + NBUF - 1 < SEQ_LEN)
            def _():
                gather(l + NBUF - 1, prev, wait=False)

            @plsc.parallel_loop(0, CHUNK, unroll=4)
            def scale_row(r):
                for j in range(D_MODEL // 16):
                    rows_v[k, r, pl.ds(j * 16, 16)] = (
                        rows_v[k, r, pl.ds(j * 16, 16)] * SCALE
                    )

            scatter(l, k, wait=False)

    scatter(SEQ_LEN - 1, (SEQ_LEN - 1) % NBUF, wait=True)


@jax.jit
def kernel(x, weight):
    xt = x.T.reshape(SEQ_LEN, NW, CHUNK)
    mesh = plsc.VectorSubcoreMesh(
        core_axis_name="c", subcore_axis_name="s", num_cores=NC, num_subcores=NS
    )
    out = pl.kernel(
        _body,
        out_type=jax.ShapeDtypeStruct((SEQ_LEN * BATCH, D_MODEL), jnp.float32),
        mesh=mesh,
        scratch_types=[
            pltpu.VMEM((SEQ_LEN, CHUNK), jnp.int32),
            pltpu.VMEM((NBUF, CHUNK, D_MODEL), jnp.float32),
            pltpu.SemaphoreType.DMA,
            pltpu.SemaphoreType.DMA,
        ],
    )(xt, weight)
    return out.reshape(SEQ_LEN, BATCH, D_MODEL).transpose(1, 0, 2)

# --- scband reference (transcript-rebuilt; emitter-appended) ---
"""Pipeline reference for scband-token-embedding-34540126994736 (READ-ONLY COPY).

The authoritative reference and input builder live on the scoring server;
editing this copy changes nothing except your own understanding.
"""

import jax, jax.numpy as jnp
import numpy as np
import math

VOCAB_SIZE = 100000
D_MODEL = 128
BATCH = 4096
SEQ_LEN = 50
SCALE = math.sqrt(D_MODEL)

def setup_inputs(seed: int = 0) -> dict:
    key = jax.random.key(seed)
    k_idx, k_w = jax.random.split(key)
    x = jax.random.randint(k_idx, (BATCH, SEQ_LEN), 0, VOCAB_SIZE, dtype=jnp.int32)
    # Xavier-like init: std = 1/sqrt(d_model), matching _init_embeddings
    weight = jax.random.normal(k_w, (VOCAB_SIZE, D_MODEL), dtype=jnp.float32) * (1.0 / math.sqrt(D_MODEL))
    return {"x": x, "weight": weight}

def reference(x, weight):
    # embedding lookup (gather) -> scale by sqrt(d_model); dropout p=0.0 (identity)
    embeddings = jnp.take(weight, x, axis=0)  # [B, L, d_model]
    embeddings = embeddings * SCALE
    return embeddings

if __name__ == "__main__":
    import jax
    _d = setup_inputs()
    print(jax.jit(kernel)(*tuple(_d.values())))

</pallas_src>

<mosaic_0001>
#map = affine_map<(d0, d1) -> (0, 0, 0)>
#map1 = affine_map<(d0, d1) -> (0, 0)>
module attributes {stable_mosaic.version = 14 : i64} {
  func.func @_body(%arg0: i32, %arg1: i32, %arg2: memref<50x32x128xi32, #tpu.memory_space<hbm>>, %arg3: memref<100000x128xf32, #tpu.memory_space<hbm>>, %arg4: memref<204800x128xf32, #tpu.memory_space<hbm>>, %arg5: memref<50x128xi32, #tpu.memory_space<vmem>>, %arg6: memref<5x128x128xf32, #tpu.memory_space<vmem>>, %arg7: memref<!tpu.dma_semaphore, #tpu.memory_space<semaphore_mem>>, %arg8: memref<!tpu.dma_semaphore, #tpu.memory_space<semaphore_mem>>) attributes {dimension_semantics = [#tpu.dimension_semantics<core_parallel>, #tpu.dimension_semantics<subcore_parallel>], iteration_bounds = array<i64: 2, 16>, scalar_prefetch = 0 : i64, scratch_operands = 4 : i64, tpu.core_type = #tpu.core_type<sc_vector_subcore>, window_params = [{transform_indices = #map}, {transform_indices = #map1}, {transform_indices = #map1}]} {
    %mul3A = arith.constant 2 : i32
    %mul3A_0 = arith.muli %arg1, %mul3A : i32
    %add3A = arith.addi %mul3A_0, %arg0 : i32
    "tpu.region"() ({
      %run_scoped3A = tpu.sem_alloc : memref<!tpu.dma_semaphore, #tpu.memory_space<semaphore_mem>>
      %dma_start3A_68 = arith.constant 0 : i32
      %dma_start3A_69 = arith.constant 0 : i32
      %dma_start3A_70 = tpu.memref_slice %arg2[%dma_start3A_68, %add3A, %dma_start3A_69] : memref<50x32x128xi32, #tpu.memory_space<hbm>> -> memref<50x1x128xi32, #tpu.memory_space<hbm>>
      %dma_start3A_71 = tpu.memref_squeeze %dma_start3A_70 : memref<50x1x128xi32, #tpu.memory_space<hbm>> -> memref<50x128xi32, #tpu.memory_space<hbm>>
      %dma_start3A_72 = arith.constant 0 : i32
      %dma_start3A_73 = arith.constant 0 : i32
      %dma_start3A_74 = tpu.memref_slice %arg2[%dma_start3A_72, %add3A, %dma_start3A_73] : memref<50x32x128xi32, #tpu.memory_space<hbm>> -> memref<50x1x128xi32, #tpu.memory_space<hbm>>
      %dma_start3A_75 = tpu.memref_squeeze %dma_start3A_74 : memref<50x1x128xi32, #tpu.memory_space<hbm>> -> memref<50x128xi32, #tpu.memory_space<hbm>>
      tpu.enqueue_dma source(%dma_start3A_75 : memref<50x128xi32, #tpu.memory_space<hbm>>) target(%arg5 : memref<50x128xi32, #tpu.memory_space<vmem>>) target_semaphore(%run_scoped3A : memref<!tpu.dma_semaphore, #tpu.memory_space<semaphore_mem>>)
      %dma_wait3A_76 = arith.constant 0 : i32
      %dma_wait3A_77 = arith.constant 0 : i32
      %dma_wait3A_78 = tpu.memref_slice %arg2[%dma_wait3A_76, %add3A, %dma_wait3A_77] : memref<50x32x128xi32, #tpu.memory_space<hbm>> -> memref<50x1x128xi32, #tpu.memory_space<hbm>>
      %dma_wait3A_79 = tpu.memref_squeeze %dma_wait3A_78 : memref<50x1x128xi32, #tpu.memory_space<hbm>> -> memref<50x128xi32, #tpu.memory_space<hbm>>
      %dma_wait3A_80 = arith.constant 0 : i32
      %dma_wait3A_81 = arith.constant 0 : i32
      %dma_wait3A_82 = tpu.memref_slice %arg2[%dma_wait3A_80, %add3A, %dma_wait3A_81] : memref<50x32x128xi32, #tpu.memory_space<hbm>> -> memref<50x1x128xi32, #tpu.memory_space<hbm>>
      %dma_wait3A_83 = tpu.memref_squeeze %dma_wait3A_82 : memref<50x1x128xi32, #tpu.memory_space<hbm>> -> memref<50x128xi32, #tpu.memory_space<hbm>>
      tpu.wait_dma2 semaphore(%run_scoped3A : memref<!tpu.dma_semaphore, #tpu.memory_space<semaphore_mem>>) src(%dma_wait3A_83 : memref<50x128xi32, #tpu.memory_space<hbm>>) dst(%arg5 : memref<50x128xi32, #tpu.memory_space<vmem>>)
      tpu.yield
    }) : () -> ()
    %dma_start3A = arith.constant 0 : i32
    %dma_start3A_1 = arith.constant 0 : i32
    %dma_start3A_2 = arith.constant 0 : i32
    %dma_start3A_3 = arith.constant 0 : i32
    %dma_start3A_4 = tpu.memref_slice %arg6[%dma_start3A_1, %dma_start3A_2, %dma_start3A_3] : memref<5x128x128xf32, #tpu.memory_space<vmem>> -> memref<1x128x128xf32, #tpu.memory_space<vmem>>
    %dma_start3A_5 = tpu.memref_squeeze %dma_start3A_4 : memref<1x128x128xf32, #tpu.memory_space<vmem>> -> memref<128x128xf32, #tpu.memory_space<vmem>>
    %dma_start3A_6 = arith.constant 0 : i32
    %dma_start3A_7 = tpu.memref_slice %arg5[%dma_start3A, %dma_start3A_6] : memref<50x128xi32, #tpu.memory_space<vmem>> -> memref<1x128xi32, #tpu.memory_space<vmem>>
    %dma_start3A_8 = tpu.memref_squeeze %dma_start3A_7 : memref<1x128xi32, #tpu.memory_space<vmem>> -> memref<128xi32, #tpu.memory_space<vmem>>
    %dma_start3A_9 = arith.constant 0 : i32
    %dma_start3A_10 = arith.constant 0 : i32
    %dma_start3A_11 = tpu.memref_slice %arg3[%dma_start3A_9, %dma_start3A_10] : memref<100000x128xf32, #tpu.memory_space<hbm>> -> memref<100000x128xf32, #tpu.memory_space<hbm>>
    tpu.enqueue_indirect_dma source(%dma_start3A_11 : memref<100000x128xf32, #tpu.memory_space<hbm>>) target(%dma_start3A_5 : memref<128x128xf32, #tpu.memory_space<vmem>>) offsets(%dma_start3A_8 : memref<128xi32, #tpu.memory_space<vmem>>) semaphore(%arg7 : memref<!tpu.dma_semaphore, #tpu.memory_space<semaphore_mem>>)
    %dma_start3A_12 = arith.constant 1 : i32
    %dma_start3A_13 = arith.constant 1 : i32
    %dma_start3A_14 = arith.constant 0 : i32
    %dma_start3A_15 = arith.constant 0 : i32
    %dma_start3A_16 = tpu.memref_slice %arg6[%dma_start3A_13, %dma_start3A_14, %dma_start3A_15] : memref<5x128x128xf32, #tpu.memory_space<vmem>> -> memref<1x128x128xf32, #tpu.memory_space<vmem>>
    %dma_start3A_17 = tpu.memref_squeeze %dma_start3A_16 : memref<1x128x128xf32, #tpu.memory_space<vmem>> -> memref<128x128xf32, #tpu.memory_space<vmem>>
    %dma_start3A_18 = arith.constant 0 : i32
    %dma_start3A_19 = tpu.memref_slice %arg5[%dma_start3A_12, %dma_start3A_18] : memref<50x128xi32, #tpu.memory_space<vmem>> -> memref<1x128xi32, #tpu.memory_space<vmem>>
    %dma_start3A_20 = tpu.memref_squeeze %dma_start3A_19 : memref<1x128xi32, #tpu.memory_space<vmem>> -> memref<128xi32, #tpu.memory_space<vmem>>
    %dma_start3A_21 = arith.constant 0 : i32
    %dma_start3A_22 = arith.constant 0 : i32
    %dma_start3A_23 = tpu.memref_slice %arg3[%dma_start3A_21, %dma_start3A_22] : memref<100000x128xf32, #tpu.memory_space<hbm>> -> memref<100000x128xf32, #tpu.memory_space<hbm>>
    tpu.enqueue_indirect_dma source(%dma_start3A_23 : memref<100000x128xf32, #tpu.memory_space<hbm>>) target(%dma_start3A_17 : memref<128x128xf32, #tpu.memory_space<vmem>>) offsets(%dma_start3A_20 : memref<128xi32, #tpu.memory_space<vmem>>) semaphore(%arg7 : memref<!tpu.dma_semaphore, #tpu.memory_space<semaphore_mem>>)
    %dma_start3A_24 = arith.constant 2 : i32
    %dma_start3A_25 = arith.constant 2 : i32
    %dma_start3A_26 = arith.constant 0 : i32
    %dma_start3A_27 = arith.constant 0 : i32
    %dma_start3A_28 = tpu.memref_slice %arg6[%dma_start3A_25, %dma_start3A_26, %dma_start3A_27] : memref<5x128x128xf32, #tpu.memory_space<vmem>> -> memref<1x128x128xf32, #tpu.memory_space<vmem>>
    %dma_start3A_29 = tpu.memref_squeeze %dma_start3A_28 : memref<1x128x128xf32, #tpu.memory_space<vmem>> -> memref<128x128xf32, #tpu.memory_space<vmem>>
    %dma_start3A_30 = arith.constant 0 : i32
    %dma_start3A_31 = tpu.memref_slice %arg5[%dma_start3A_24, %dma_start3A_30] : memref<50x128xi32, #tpu.memory_space<vmem>> -> memref<1x128xi32, #tpu.memory_space<vmem>>
    %dma_start3A_32 = tpu.memref_squeeze %dma_start3A_31 : memref<1x128xi32, #tpu.memory_space<vmem>> -> memref<128xi32, #tpu.memory_space<vmem>>
    %dma_start3A_33 = arith.constant 0 : i32
    %dma_start3A_34 = arith.constant 0 : i32
    %dma_start3A_35 = tpu.memref_slice %arg3[%dma_start3A_33, %dma_start3A_34] : memref<100000x128xf32, #tpu.memory_space<hbm>> -> memref<100000x128xf32, #tpu.memory_space<hbm>>
    tpu.enqueue_indirect_dma source(%dma_start3A_35 : memref<100000x128xf32, #tpu.memory_space<hbm>>) target(%dma_start3A_29 : memref<128x128xf32, #tpu.memory_space<vmem>>) offsets(%dma_start3A_32 : memref<128xi32, #tpu.memory_space<vmem>>) semaphore(%arg7 : memref<!tpu.dma_semaphore, #tpu.memory_space<semaphore_mem>>)
    %dma_start3A_36 = arith.constant 3 : i32
    %dma_start3A_37 = arith.constant 3 : i32
    %dma_start3A_38 = arith.constant 0 : i32
    %dma_start3A_39 = arith.constant 0 : i32
    %dma_start3A_40 = tpu.memref_slice %arg6[%dma_start3A_37, %dma_start3A_38, %dma_start3A_39] : memref<5x128x128xf32, #tpu.memory_space<vmem>> -> memref<1x128x128xf32, #tpu.memory_space<vmem>>
    %dma_start3A_41 = tpu.memref_squeeze %dma_start3A_40 : memref<1x128x128xf32, #tpu.memory_space<vmem>> -> memref<128x128xf32, #tpu.memory_space<vmem>>
    %dma_start3A_42 = arith.constant 0 : i32
    %dma_start3A_43 = tpu.memref_slice %arg5[%dma_start3A_36, %dma_start3A_42] : memref<50x128xi32, #tpu.memory_space<vmem>> -> memref<1x128xi32, #tpu.memory_space<vmem>>
    %dma_start3A_44 = tpu.memref_squeeze %dma_start3A_43 : memref<1x128xi32, #tpu.memory_space<vmem>> -> memref<128xi32, #tpu.memory_space<vmem>>
    %dma_start3A_45 = arith.constant 0 : i32
    %dma_start3A_46 = arith.constant 0 : i32
    %dma_start3A_47 = tpu.memref_slice %arg3[%dma_start3A_45, %dma_start3A_46] : memref<100000x128xf32, #tpu.memory_space<hbm>> -> memref<100000x128xf32, #tpu.memory_space<hbm>>
    tpu.enqueue_indirect_dma source(%dma_start3A_47 : memref<100000x128xf32, #tpu.memory_space<hbm>>) target(%dma_start3A_41 : memref<128x128xf32, #tpu.memory_space<vmem>>) offsets(%dma_start3A_44 : memref<128xi32, #tpu.memory_space<vmem>>) semaphore(%arg7 : memref<!tpu.dma_semaphore, #tpu.memory_space<semaphore_mem>>)
    %scan3A = arith.constant 0 : i32
    %scan3A_48 = arith.constant 10 : i32
    %scan3A_49 = arith.addi %scan3A, %scan3A_48 : i32
    %scan3A_50 = arith.constant 1 : i32
    scf.for %scan3A_68 = %scan3A to %scan3A_49 step %scan3A_50  : i32 {
      %mul3A_69 = arith.constant 5 : i32
      %mul3A_70 = arith.muli %scan3A_68, %mul3A_69 : i32
      %add3A_71 = arith.constant 0 : i32
      %add3A_72 = arith.addi %add3A_71, %mul3A_70 : i32
      %add3A_73 = arith.constant 0 : i32
      %add3A_74 = arith.addi %add3A_72, %add3A_73 : i32
      %dma_wait3A_75 = arith.constant 0 : i32
      %dma_wait3A_76 = arith.constant 0 : i32
      %dma_wait3A_77 = arith.constant 0 : i32
      %dma_wait3A_78 = tpu.memref_slice %arg6[%dma_wait3A_75, %dma_wait3A_76, %dma_wait3A_77] : memref<5x128x128xf32, #tpu.memory_space<vmem>> -> memref<1x128x128xf32, #tpu.memory_space<vmem>>
      %dma_wait3A_79 = tpu.memref_squeeze %dma_wait3A_78 : memref<1x128x128xf32, #tpu.memory_space<vmem>> -> memref<128x128xf32, #tpu.memory_space<vmem>>
      %dma_wait3A_80 = arith.constant 0 : i32
      %dma_wait3A_81 = tpu.memref_slice %arg5[%add3A_74, %dma_wait3A_80] : memref<50x128xi32, #tpu.memory_space<vmem>> -> memref<1x128xi32, #tpu.memory_space<vmem>>
      %dma_wait3A_82 = tpu.memref_squeeze %dma_wait3A_81 : memref<1x128xi32, #tpu.memory_space<vmem>> -> memref<128xi32, #tpu.memory_space<vmem>>
      %dma_wait3A_83 = arith.constant 0 : i32
      %dma_wait3A_84 = arith.constant 0 : i32
      %dma_wait3A_85 = tpu.memref_slice %arg3[%dma_wait3A_83, %dma_wait3A_84] : memref<100000x128xf32, #tpu.memory_space<hbm>> -> memref<100000x128xf32, #tpu.memory_space<hbm>>
      tpu.wait_indirect_dma semaphore(%arg7 : memref<!tpu.dma_semaphore, #tpu.memory_space<semaphore_mem>>) src(%dma_wait3A_85 : memref<100000x128xf32, #tpu.memory_space<hbm>>) dst(%dma_wait3A_79 : memref<128x128xf32, #tpu.memory_space<vmem>>)
      %gt3A = arith.constant 0 : i32
      %gt3A_86 = arith.cmpi sgt, %add3A_74, %gt3A : i32
      %convert_element_type3A = arith.extui %gt3A_86 : i1 to i32
      %cond3A = arith.constant 0 : i32
      %cond3A_87 = arith.cmpi ne, %convert_element_type3A, %cond3A : i32
      scf.if %cond3A_87 {
        %sub3A_307 = arith.constant 1 : i32
        %sub3A_308 = arith.subi %add3A_74, %sub3A_307 : i32
        %mul3A_309 = arith.constant 4096 : i32
        %mul3A_310 = arith.muli %sub3A_308, %mul3A_309 : i32
        %mul3A_311 = arith.constant 128 : i32
        %mul3A_312 = arith.muli %add3A, %mul3A_311 : i32
        %add3A_313 = arith.addi %mul3A_310, %mul3A_312 : i32
        %dma_wait3A_314 = arith.constant 4 : i32
        %dma_wait3A_315 = arith.constant 0 : i32
        %dma_wait3A_316 = arith.constant 0 : i32
        %dma_wait3A_317 = tpu.memref_slice %arg6[%dma_wait3A_314, %dma_wait3A_315, %dma_wait3A_316] : memref<5x128x128xf32, #tpu.memory_space<vmem>> -> memref<1x128x128xf32, #tpu.memory_space<vmem>>
        %dma_wait3A_318 = tpu.memref_squeeze %dma_wait3A_317 : memref<1x128x128xf32, #tpu.memory_space<vmem>> -> memref<128x128xf32, #tpu.memory_space<vmem>>
        %dma_wait3A_319 = arith.constant 0 : i32
        %dma_wait3A_320 = tpu.memref_slice %arg4[%add3A_313, %dma_wait3A_319] : memref<204800x128xf32, #tpu.memory_space<hbm>> -> memref<128x128xf32, #tpu.memory_space<hbm>>
        %dma_wait3A_321 = arith.constant 0 : i32
        %dma_wait3A_322 = tpu.memref_slice %arg4[%add3A_313, %dma_wait3A_321] : memref<204800x128xf32, #tpu.memory_space<hbm>> -> memref<128x128xf32, #tpu.memory_space<hbm>>
        %dma_wait3A_323 = arith.constant 0 : i32
        %dma_wait3A_324 = arith.constant 0 : i32
        %dma_wait3A_325 = tpu.memref_slice %arg6[%dma_wait3A_314, %dma_wait3A_323, %dma_wait3A_324] : memref<5x128x128xf32, #tpu.memory_space<vmem>> -> memref<1x128x128xf32, #tpu.memory_space<vmem>>
        %dma_wait3A_326 = tpu.memref_squeeze %dma_wait3A_325 : memref<1x128x128xf32, #tpu.memory_space<vmem>> -> memref<128x128xf32, #tpu.memory_space<vmem>>
        tpu.wait_dma2 semaphore(%arg8 : memref<!tpu.dma_semaphore, #tpu.memory_space<semaphore_mem>>) src(%dma_wait3A_326 : memref<128x128xf32, #tpu.memory_space<vmem>>) dst(%dma_wait3A_322 : memref<128x128xf32, #tpu.memory_space<hbm>>)
      } else {
      }
      %add3A_88 = arith.constant 5 : i32
      %add3A_89 = arith.addi %add3A_74, %add3A_88 : i32
      %sub3A = arith.constant 1 : i32
      %sub3A_90 = arith.subi %add3A_89, %sub3A : i32
      %lt3A = arith.constant 50 : i32
      %lt3A_91 = arith.cmpi slt, %sub3A_90, %lt3A : i32
      %convert_element_type3A_92 = arith.extui %lt3A_91 : i1 to i32
      %cond3A_93 = arith.constant 0 : i32
      %cond3A_94 = arith.cmpi ne, %convert_element_type3A_92, %cond3A_93 : i32
      scf.if %cond3A_94 {
        %add3A_307 = arith.constant 5 : i32
        %add3A_308 = arith.addi %add3A_74, %add3A_307 : i32
        %sub3A_309 = arith.constant 1 : i32
        %sub3A_310 = arith.subi %add3A_308, %sub3A_309 : i32
        %dma_start3A_311 = arith.constant 4 : i32
        %dma_start3A_312 = arith.constant 0 : i32
        %dma_start3A_313 = arith.constant 0 : i32
        %dma_start3A_314 = tpu.memref_slice %arg6[%dma_start3A_311, %dma_start3A_312, %dma_start3A_313] : memref<5x128x128xf32, #tpu.memory_space<vmem>> -> memref<1x128x128xf32, #tpu.memory_space<vmem>>
        %dma_start3A_315 = tpu.memref_squeeze %dma_start3A_314 : memref<1x128x128xf32, #tpu.memory_space<vmem>> -> memref<128x128xf32, #tpu.memory_space<vmem>>
        %dma_start3A_316 = arith.constant 0 : i32
        %dma_start3A_317 = tpu.memref_slice %arg5[%sub3A_310, %dma_start3A_316] : memref<50x128xi32, #tpu.memory_space<vmem>> -> memref<1x128xi32, #tpu.memory_space<vmem>>
        %dma_start3A_318 = tpu.memref_squeeze %dma_start3A_317 : memref<1x128xi32, #tpu.memory_space<vmem>> -> memref<128xi32, #tpu.memory_space<vmem>>
        %dma_start3A_319 = arith.constant 0 : i32
        %dma_start3A_320 = arith.constant 0 : i32
        %dma_start3A_321 = tpu.memref_slice %arg3[%dma_start3A_319, %dma_start3A_320] : memref<100000x128xf32, #tpu.memory_space<hbm>> -> memref<100000x128xf32, #tpu.memory_space<hbm>>
        tpu.enqueue_indirect_dma source(%dma_start3A_321 : memref<100000x128xf32, #tpu.memory_space<hbm>>) target(%dma_start3A_315 : memref<128x128xf32, #tpu.memory_space<vmem>>) offsets(%dma_start3A_318 : memref<128xi32, #tpu.memory_space<vmem>>) semaphore(%arg7 : memref<!tpu.dma_semaphore, #tpu.memory_space<semaphore_mem>>)
      } else {
      }
      %parallel_loop3A = arith.constant 0 : i32
      %parallel_loop3A_95 = arith.constant 128 : i32
      %parallel_loop3A_96 = arith.constant 1 : i32
      scf.for %parallel_loop3A_307 = %parallel_loop3A to %parallel_loop3A_95 step %parallel_loop3A_96  : i32 {
        %parallel_loop3A_308 = arith.constant 0 : i32
        %parallel_loop3A_309 = arith.index_cast %parallel_loop3A_308 : i32 to index
        %parallel_loop3A_310 = arith.index_cast %parallel_loop3A_307 : i32 to index
        %parallel_loop3A_311 = arith.constant 0 : index
        %parallel_loop3A_312 = tpu.vector_load %arg6[%parallel_loop3A_309, %parallel_loop3A_310, %parallel_loop3A_311] {strides = array<i32>} : memref<5x128x128xf32, #tpu.memory_space<vmem>>, vector<1x1x16xf32>,
        %parallel_loop3A_313 = vector.shape_cast %parallel_loop3A_312 : vector<1x1x16xf32> to vector<16xf32>
        %parallel_loop3A_314 = arith.constant 11.3137083 : f32
        %parallel_loop3A_315 = vector.broadcast %parallel_loop3A_314 : f32 to vector<16xf32>
        %parallel_loop3A_316 = arith.mulf %parallel_loop3A_313, %parallel_loop3A_315 : vector<16xf32>
        %parallel_loop3A_317 = arith.constant 0 : i32
        %parallel_loop3A_318 = arith.index_cast %parallel_loop3A_317 : i32 to index
        %parallel_loop3A_319 = arith.index_cast %parallel_loop3A_307 : i32 to index
        %parallel_loop3A_320 = arith.constant 0 : index
        %parallel_loop3A_321 = tpu.vector_load %arg6[%parallel_loop3A_318, %parallel_loop3A_319, %parallel_loop3A_320] {strides = array<i32>} : memref<5x128x128xf32, #tpu.memory_space<vmem>>, vector<1x1x16xf32>,
        %parallel_loop3A_322 = vector.shape_cast %parallel_loop3A_321 : vector<1x1x16xf32> to vector<16xf32>
        %parallel_loop3A_323 = vector.shape_cast %parallel_loop3A_316 : vector<16xf32> to vector<1x1x16xf32>
        tpu.vector_store %arg6[%parallel_loop3A_318, %parallel_loop3A_319, %parallel_loop3A_320], %parallel_loop3A_323 {strides = array<i32>} : memref<5x128x128xf32, #tpu.memory_space<vmem>>, vector<1x1x16xf32>,
        %parallel_loop3A_324 = arith.constant 0 : i32
        %parallel_loop3A_325 = arith.index_cast %parallel_loop3A_324 : i32 to index
        %parallel_loop3A_326 = arith.index_cast %parallel_loop3A_307 : i32 to index
        %parallel_loop3A_327 = arith.constant 16 : index
        %parallel_loop3A_328 = tpu.vector_load %arg6[%parallel_loop3A_325, %parallel_loop3A_326, %parallel_loop3A_327] {strides = array<i32>} : memref<5x128x128xf32, #tpu.memory_space<vmem>>, vector<1x1x16xf32>,
        %parallel_loop3A_329 = vector.shape_cast %parallel_loop3A_328 : vector<1x1x16xf32> to vector<16xf32>
        %parallel_loop3A_330 = arith.constant 11.3137083 : f32
        %parallel_loop3A_331 = vector.broadcast %parallel_loop3A_330 : f32 to vector<16xf32>
        %parallel_loop3A_332 = arith.mulf %parallel_loop3A_329, %parallel_loop3A_331 : vector<16xf32>
        %parallel_loop3A_333 = arith.constant 0 : i32
        %parallel_loop3A_334 = arith.index_cast %parallel_loop3A_333 : i32 to index
        %parallel_loop3A_335 = arith.index_cast %parallel_loop3A_307 : i32 to index
        %parallel_loop3A_336 = arith.constant 16 : index
        %parallel_loop3A_337 = tpu.vector_load %arg6[%parallel_loop3A_334, %parallel_loop3A_335, %parallel_loop3A_336] {strides = array<i32>} : memref<5x128x128xf32, #tpu.memory_space<vmem>>, vector<1x1x16xf32>,
        %parallel_loop3A_338 = vector.shape_cast %parallel_loop3A_337 : vector<1x1x16xf32> to vector<16xf32>
        %parallel_loop3A_339 = vector.shape_cast %parallel_loop3A_332 : vector<16xf32> to vector<1x1x16xf32>
        tpu.vector_store %arg6[%parallel_loop3A_334, %parallel_loop3A_335, %parallel_loop3A_336], %parallel_loop3A_339 {strides = array<i32>} : memref<5x128x128xf32, #tpu.memory_space<vmem>>, vector<1x1x16xf32>,
        %parallel_loop3A_340 = arith.constant 0 : i32
        %parallel_loop3A_341 = arith.index_cast %parallel_loop3A_340 : i32 to index
        %parallel_loop3A_342 = arith.index_cast %parallel_loop3A_307 : i32 to index
        %parallel_loop3A_343 = arith.constant 32 : index
        %parallel_loop3A_344 = tpu.vector_load %arg6[%parallel_loop3A_341, %parallel_loop3A_342, %parallel_loop3A_343] {strides = array<i32>} : memref<5x128x128xf32, #tpu.memory_space<vmem>>, vector<1x1x16xf32>,
        %parallel_loop3A_345 = vector.shape_cast %parallel_loop3A_344 : vector<1x1x16xf32> to vector<16xf32>
        %parallel_loop3A_346 = arith.constant 11.3137083 : f32
        %parallel_loop3A_347 = vector.broadcast %parallel_loop3A_346 : f32 to vector<16xf32>
        %parallel_loop3A_348 = arith.mulf %parallel_loop3A_345, %parallel_loop3A_347 : vector<16xf32>
        %parallel_loop3A_349 = arith.constant 0 : i32
        %parallel_loop3A_350 = arith.index_cast %parallel_loop3A_349 : i32 to index
        %parallel_loop3A_351 = arith.index_cast %parallel_loop3A_307 : i32 to index
        %parallel_loop3A_352 = arith.constant 32 : index
        %parallel_loop3A_353 = tpu.vector_load %arg6[%parallel_loop3A_350, %parallel_loop3A_351, %parallel_loop3A_352] {strides = array<i32>} : memref<5x128x128xf32, #tpu.memory_space<vmem>>, vector<1x1x16xf32>,
        %parallel_loop3A_354 = vector.shape_cast %parallel_loop3A_353 : vector<1x1x16xf32> to vector<16xf32>
        %parallel_loop3A_355 = vector.shape_cast %parallel_loop3A_348 : vector<16xf32> to vector<1x1x16xf32>
        tpu.vector_store %arg6[%parallel_loop3A_350, %parallel_loop3A_351, %parallel_loop3A_352], %parallel_loop3A_355 {strides = array<i32>} : memref<5x128x128xf32, #tpu.memory_space<vmem>>, vector<1x1x16xf32>,
        %parallel_loop3A_356 = arith.constant 0 : i32
        %parallel_loop3A_357 = arith.index_cast %parallel_loop3A_356 : i32 to index
        %parallel_loop3A_358 = arith.index_cast %parallel_loop3A_307 : i32 to index
        %parallel_loop3A_359 = arith.constant 48 : index
        %parallel_loop3A_360 = tpu.vector_load %arg6[%parallel_loop3A_357, %parallel_loop3A_358, %parallel_loop3A_359] {strides = array<i32>} : memref<5x128x128xf32, #tpu.memory_space<vmem>>, vector<1x1x16xf32>,
        %parallel_loop3A_361 = vector.shape_cast %parallel_loop3A_360 : vector<1x1x16xf32> to vector<16xf32>
        %parallel_loop3A_362 = arith.constant 11.3137083 : f32
        %parallel_loop3A_363 = vector.broadcast %parallel_loop3A_362 : f32 to vector<16xf32>
        %parallel_loop3A_364 = arith.mulf %parallel_loop3A_361, %parallel_loop3A_363 : vector<16xf32>
        %parallel_loop3A_365 = arith.constant 0 : i32
        %parallel_loop3A_366 = arith.index_cast %parallel_loop3A_365 : i32 to index
        %parallel_loop3A_367 = arith.index_cast %parallel_loop3A_307 : i32 to index
        %parallel_loop3A_368 = arith.constant 48 : index
        %parallel_loop3A_369 = tpu.vector_load %arg6[%parallel_loop3A_366, %parallel_loop3A_367, %parallel_loop3A_368] {strides = array<i32>} : memref<5x128x128xf32, #tpu.memory_space<vmem>>, vector<1x1x16xf32>,
        %parallel_loop3A_370 = vector.shape_cast %parallel_loop3A_369 : vector<1x1x16xf32> to vector<16xf32>
        %parallel_loop3A_371 = vector.shape_cast %parallel_loop3A_364 : vector<16xf32> to vector<1x1x16xf32>
        tpu.vector_store %arg6[%parallel_loop3A_366, %parallel_loop3A_367, %parallel_loop3A_368], %parallel_loop3A_371 {strides = array<i32>} : memref<5x128x128xf32, #tpu.memory_space<vmem>>, vector<1x1x16xf32>,
        %parallel_loop3A_372 = arith.constant 0 : i32
        %parallel_loop3A_373 = arith.index_cast %parallel_loop3A_372 : i32 to index
        %parallel_loop3A_374 = arith.index_cast %parallel_loop3A_307 : i32 to index
        %parallel_loop3A_375 = arith.constant 64 : index
        %parallel_loop3A_376 = tpu.vector_load %arg6[%parallel_loop3A_373, %parallel_loop3A_374, %parallel_loop3A_375] {strides = array<i32>} : memref<5x128x128xf32, #tpu.memory_space<vmem>>, vector<1x1x16xf32>,
        %parallel_loop3A_377 = vector.shape_cast %parallel_loop3A_376 : vector<1x1x16xf32> to vector<16xf32>
        %parallel_loop3A_378 = arith.constant 11.3137083 : f32
        %parallel_loop3A_379 = vector.broadcast %parallel_loop3A_378 : f32 to vector<16xf32>
        %parallel_loop3A_380 = arith.mulf %parallel_loop3A_377, %parallel_loop3A_379 : vector<16xf32>
        %parallel_loop3A_381 = arith.constant 0 : i32
        %parallel_loop3A_382 = arith.index_cast %parallel_loop3A_381 : i32 to index
        %parallel_loop3A_383 = arith.index_cast %parallel_loop3A_307 : i32 to index
        %parallel_loop3A_384 = arith.constant 64 : index
        %parallel_loop3A_385 = tpu.vector_load %arg6[%parallel_loop3A_382, %parallel_loop3A_383, %parallel_loop3A_384] {strides = array<i32>} : memref<5x128x128xf32, #tpu.memory_space<vmem>>, vector<1x1x16xf32>,
        %parallel_loop3A_386 = vector.shape_cast %parallel_loop3A_385 : vector<1x1x16xf32> to vector<16xf32>
        %parallel_loop3A_387 = vector.shape_cast %parallel_loop3A_380 : vector<16xf32> to vector<1x1x16xf32>
        tpu.vector_store %arg6[%parallel_loop3A_382, %parallel_loop3A_383, %parallel_loop3A_384], %parallel_loop3A_387 {strides = array<i32>} : memref<5x128x128xf32, #tpu.memory_space<vmem>>, vector<1x1x16xf32>,
        %parallel_loop3A_388 = arith.constant 0 : i32
        %parallel_loop3A_389 = arith.index_cast %parallel_loop3A_388 : i32 to index
        %parallel_loop3A_390 = arith.index_cast %parallel_loop3A_307 : i32 to index
        %parallel_loop3A_391 = arith.constant 80 : index
        %parallel_loop3A_392 = tpu.vector_load %arg6[%parallel_loop3A_389, %parallel_loop3A_390, %parallel_loop3A_391] {strides = array<i32>} : memref<5x128x128xf32, #tpu.memory_space<vmem>>, vector<1x1x16xf32>,
        %parallel_loop3A_393 = vector.shape_cast %parallel_loop3A_392 : vector<1x1x16xf32> to vector<16xf32>
        %parallel_loop3A_394 = arith.constant 11.3137083 : f32
        %parallel_loop3A_395 = vector.broadcast %parallel_loop3A_394 : f32 to vector<16xf32>
        %parallel_loop3A_396 = arith.mulf %parallel_loop3A_393, %parallel_loop3A_395 : vector<16xf32>
        %parallel_loop3A_397 = arith.constant 0 : i32
        %parallel_loop3A_398 = arith.index_cast %parallel_loop3A_397 : i32 to index
        %parallel_loop3A_399 = arith.index_cast %parallel_loop3A_307 : i32 to index
        %parallel_loop3A_400 = arith.constant 80 : index
        %parallel_loop3A_401 = tpu.vector_load %arg6[%parallel_loop3A_398, %parallel_loop3A_399, %parallel_loop3A_400] {strides = array<i32>} : memref<5x128x128xf32, #tpu.memory_space<vmem>>, vector<1x1x16xf32>,
        %parallel_loop3A_402 = vector.shape_cast %parallel_loop3A_401 : vector<1x1x16xf32> to vector<16xf32>
        %parallel_loop3A_403 = vector.shape_cast %parallel_loop3A_396 : vector<16xf32> to vector<1x1x16xf32>
        tpu.vector_store %arg6[%parallel_loop3A_398, %parallel_loop3A_399, %parallel_loop3A_400], %parallel_loop3A_403 {strides = array<i32>} : memref<5x128x128xf32, #tpu.memory_space<vmem>>, vector<1x1x16xf32>,
        %parallel_loop3A_404 = arith.constant 0 : i32
        %parallel_loop3A_405 = arith.index_cast %parallel_loop3A_404 : i32 to index
        %parallel_loop3A_406 = arith.index_cast %parallel_loop3A_307 : i32 to index
        %parallel_loop3A_407 = arith.constant 96 : index
        %parallel_loop3A_408 = tpu.vector_load %arg6[%parallel_loop3A_405, %parallel_loop3A_406, %parallel_loop3A_407] {strides = array<i32>} : memref<5x128x128xf32, #tpu.memory_space<vmem>>, vector<1x1x16xf32>,
        %parallel_loop3A_409 = vector.shape_cast %parallel_loop3A_408 : vector<1x1x16xf32> to vector<16xf32>
        %parallel_loop3A_410 = arith.constant 11.3137083 : f32
        %parallel_loop3A_411 = vector.broadcast %parallel_loop3A_410 : f32 to vector<16xf32>
        %parallel_loop3A_412 = arith.mulf %parallel_loop3A_409, %parallel_loop3A_411 : vector<16xf32>
        %parallel_loop3A_413 = arith.constant 0 : i32
        %parallel_loop3A_414 = arith.index_cast %parallel_loop3A_413 : i32 to index
        %parallel_loop3A_415 = arith.index_cast %parallel_loop3A_307 : i32 to index
        %parallel_loop3A_416 = arith.constant 96 : index
        %parallel_loop3A_417 = tpu.vector_load %arg6[%parallel_loop3A_414, %parallel_loop3A_415, %parallel_loop3A_416] {strides = array<i32>} : memref<5x128x128xf32, #tpu.memory_space<vmem>>, vector<1x1x16xf32>,
        %parallel_loop3A_418 = vector.shape_cast %parallel_loop3A_417 : vector<1x1x16xf32> to vector<16xf32>
        %parallel_loop3A_419 = vector.shape_cast %parallel_loop3A_412 : vector<16xf32> to vector<1x1x16xf32>
        tpu.vector_store %arg6[%parallel_loop3A_414, %parallel_loop3A_415, %parallel_loop3A_416], %parallel_loop3A_419 {strides = array<i32>} : memref<5x128x128xf32, #tpu.memory_space<vmem>>, vector<1x1x16xf32>,
        %parallel_loop3A_420 = arith.constant 0 : i32
        %parallel_loop3A_421 = arith.index_cast %parallel_loop3A_420 : i32 to index
        %parallel_loop3A_422 = arith.index_cast %parallel_loop3A_307 : i32 to index
        %parallel_loop3A_423 = arith.constant 112 : index
        %parallel_loop3A_424 = tpu.vector_load %arg6[%parallel_loop3A_421, %parallel_loop3A_422, %parallel_loop3A_423] {strides = array<i32>} : memref<5x128x128xf32, #tpu.memory_space<vmem>>, vector<1x1x16xf32>,
        %parallel_loop3A_425 = vector.shape_cast %parallel_loop3A_424 : vector<1x1x16xf32> to vector<16xf32>
        %parallel_loop3A_426 = arith.constant 11.3137083 : f32
        %parallel_loop3A_427 = vector.broadcast %parallel_loop3A_426 : f32 to vector<16xf32>
        %parallel_loop3A_428 = arith.mulf %parallel_loop3A_425, %parallel_loop3A_427 : vector<16xf32>
        %parallel_loop3A_429 = arith.constant 0 : i32
        %parallel_loop3A_430 = arith.index_cast %parallel_loop3A_429 : i32 to index
        %parallel_loop3A_431 = arith.index_cast %parallel_loop3A_307 : i32 to index
        %parallel_loop3A_432 = arith.constant 112 : index
        %parallel_loop3A_433 = tpu.vector_load %arg6[%parallel_loop3A_430, %parallel_loop3A_431, %parallel_loop3A_432] {strides = array<i32>} : memref<5x128x128xf32, #tpu.memory_space<vmem>>, vector<1x1x16xf32>,
        %parallel_loop3A_434 = vector.shape_cast %parallel_loop3A_433 : vector<1x1x16xf32> to vector<16xf32>
        %parallel_loop3A_435 = vector.shape_cast %parallel_loop3A_428 : vector<16xf32> to vector<1x1x16xf32>
        tpu.vector_store %arg6[%parallel_loop3A_430, %parallel_loop3A_431, %parallel_loop3A_432], %parallel_loop3A_435 {strides = array<i32>} : memref<5x128x128xf32, #tpu.memory_space<vmem>>, vector<1x1x16xf32>,
      } {sc.loop_unroll_factor = 4 : i64, sc.parallel_access}
      %mul3A_97 = arith.constant 4096 : i32
      %mul3A_98 = arith.muli %add3A_74, %mul3A_97 : i32
      %mul3A_99 = arith.constant 128 : i32
      %mul3A_100 = arith.muli %add3A, %mul3A_99 : i32
      %add3A_101 = arith.addi %mul3A_98, %mul3A_100 : i32
      %dma_start3A_102 = arith.constant 0 : i32
      %dma_start3A_103 = arith.constant 0 : i32
      %dma_start3A_104 = arith.constant 0 : i32
      %dma_start3A_105 = tpu.memref_slice %arg6[%dma_start3A_102, %dma_start3A_103, %dma_start3A_104] : memref<5x128x128xf32, #tpu.memory_space<vmem>> -> memref<1x128x128xf32, #tpu.memory_space<vmem>>
      %dma_start3A_106 = tpu.memref_squeeze %dma_start3A_105 : memref<1x128x128xf32, #tpu.memory_space<vmem>> -> memref<128x128xf32, #tpu.memory_space<vmem>>
      %dma_start3A_107 = arith.constant 0 : i32
      %dma_start3A_108 = tpu.memref_slice %arg4[%add3A_101, %dma_start3A_107] : memref<204800x128xf32, #tpu.memory_space<hbm>> -> memref<128x128xf32, #tpu.memory_space<hbm>>
      %dma_start3A_109 = arith.constant 0 : i32
      %dma_start3A_110 = tpu.memref_slice %arg4[%add3A_101, %dma_start3A_109] : memref<204800x128xf32, #tpu.memory_space<hbm>> -> memref<128x128xf32, #tpu.memory_space<hbm>>
      %dma_start3A_111 = arith.constant 0 : i32
      %dma_start3A_112 = arith.constant 0 : i32
      %dma_start3A_113 = tpu.memref_slice %arg6[%dma_start3A_102, %dma_start3A_111, %dma_start3A_112] : memref<5x128x128xf32, #tpu.memory_space<vmem>> -> memref<1x128x128xf32, #tpu.memory_space<vmem>>
      %dma_start3A_114 = tpu.memref_squeeze %dma_start3A_113 : memref<1x128x128xf32, #tpu.memory_space<vmem>> -> memref<128x128xf32, #tpu.memory_space<vmem>>
      tpu.enqueue_dma source(%dma_start3A_114 : memref<128x128xf32, #tpu.memory_space<vmem>>) target(%dma_start3A_110 : memref<128x128xf32, #tpu.memory_space<hbm>>) target_semaphore(%arg8 : memref<!tpu.dma_semaphore, #tpu.memory_space<semaphore_mem>>)
      %add3A_115 = arith.constant 1 : i32
      %add3A_116 = arith.addi %add3A_72, %add3A_115 : i32
      %dma_wait3A_117 = arith.constant 1 : i32
      %dma_wait3A_118 = arith.constant 0 : i32
      %dma_wait3A_119 = arith.constant 0 : i32
      %dma_wait3A_120 = tpu.memref_slice %arg6[%dma_wait3A_117, %dma_wait3A_118, %dma_wait3A_119] : memref<5x128x128xf32, #tpu.memory_space<vmem>> -> memref<1x128x128xf32, #tpu.memory_space<vmem>>
      %dma_wait3A_121 = tpu.memref_squeeze %dma_wait3A_120 : memref<1x128x128xf32, #tpu.memory_space<vmem>> -> memref<128x128xf32, #tpu.memory_space<vmem>>
      %dma_wait3A_122 = arith.constant 0 : i32
      %dma_wait3A_123 = tpu.memref_slice %arg5[%add3A_116, %dma_wait3A_122] : memref<50x128xi32, #tpu.memory_space<vmem>> -> memref<1x128xi32, #tpu.memory_space<vmem>>
      %dma_wait3A_124 = tpu.memref_squeeze %dma_wait3A_123 : memref<1x128xi32, #tpu.memory_space<vmem>> -> memref<128xi32, #tpu.memory_space<vmem>>
      %dma_wait3A_125 = arith.constant 0 : i32
      %dma_wait3A_126 = arith.constant 0 : i32
      %dma_wait3A_127 = tpu.memref_slice %arg3[%dma_wait3A_125, %dma_wait3A_126] : memref<100000x128xf32, #tpu.memory_space<hbm>> -> memref<100000x128xf32, #tpu.memory_space<hbm>>
      tpu.wait_indirect_dma semaphore(%arg7 : memref<!tpu.dma_semaphore, #tpu.memory_space<semaphore_mem>>) src(%dma_wait3A_127 : memref<100000x128xf32, #tpu.memory_space<hbm>>) dst(%dma_wait3A_121 : memref<128x128xf32, #tpu.memory_space<vmem>>)
      %gt3A_128 = arith.constant 0 : i32
      %gt3A_129 = arith.cmpi sgt, %add3A_116, %gt3A_128 : i32
      %convert_element_type3A_130 = arith.extui %gt3A_129 : i1 to i32
      %cond3A_131 = arith.constant 0 : i32
      %cond3A_132 = arith.cmpi ne, %convert_element_type3A_130, %cond3A_131 : i32
      scf.if %cond3A_132 {
        %sub3A_307 = arith.constant 1 : i32
        %sub3A_308 = arith.subi %add3A_116, %sub3A_307 : i32
        %mul3A_309 = arith.constant 4096 : i32
        %mul3A_310 = arith.muli %sub3A_308, %mul3A_309 : i32
        %mul3A_311 = arith.constant 128 : i32
        %mul3A_312 = arith.muli %add3A, %mul3A_311 : i32
        %add3A_313 = arith.addi %mul3A_310, %mul3A_312 : i32
        %dma_wait3A_314 = arith.constant 0 : i32
        %dma_wait3A_315 = arith.constant 0 : i32
        %dma_wait3A_316 = arith.constant 0 : i32
        %dma_wait3A_317 = tpu.memref_slice %arg6[%dma_wait3A_314, %dma_wait3A_315, %dma_wait3A_316] : memref<5x128x128xf32, #tpu.memory_space<vmem>> -> memref<1x128x128xf32, #tpu.memory_space<vmem>>
        %dma_wait3A_318 = tpu.memref_squeeze %dma_wait3A_317 : memref<1x128x128xf32, #tpu.memory_space<vmem>> -> memref<128x128xf32, #tpu.memory_space<vmem>>
        %dma_wait3A_319 = arith.constant 0 : i32
        %dma_wait3A_320 = tpu.memref_slice %arg4[%add3A_313, %dma_wait3A_319] : memref<204800x128xf32, #tpu.memory_space<hbm>> -> memref<128x128xf32, #tpu.memory_space<hbm>>
        %dma_wait3A_321 = arith.constant 0 : i32
        %dma_wait3A_322 = tpu.memref_slice %arg4[%add3A_313, %dma_wait3A_321] : memref<204800x128xf32, #tpu.memory_space<hbm>> -> memref<128x128xf32, #tpu.memory_space<hbm>>
        %dma_wait3A_323 = arith.constant 0 : i32
        %dma_wait3A_324 = arith.constant 0 : i32
        %dma_wait3A_325 = tpu.memref_slice %arg6[%dma_wait3A_314, %dma_wait3A_323, %dma_wait3A_324] : memref<5x128x128xf32, #tpu.memory_space<vmem>> -> memref<1x128x128xf32, #tpu.memory_space<vmem>>
        %dma_wait3A_326 = tpu.memref_squeeze %dma_wait3A_325 : memref<1x128x128xf32, #tpu.memory_space<vmem>> -> memref<128x128xf32, #tpu.memory_space<vmem>>
        tpu.wait_dma2 semaphore(%arg8 : memref<!tpu.dma_semaphore, #tpu.memory_space<semaphore_mem>>) src(%dma_wait3A_326 : memref<128x128xf32, #tpu.memory_space<vmem>>) dst(%dma_wait3A_322 : memref<128x128xf32, #tpu.memory_space<hbm>>)
      } else {
      }
      %add3A_133 = arith.constant 5 : i32
      %add3A_134 = arith.addi %add3A_116, %add3A_133 : i32
      %sub3A_135 = arith.constant 1 : i32
      %sub3A_136 = arith.subi %add3A_134, %sub3A_135 : i32
      %lt3A_137 = arith.constant 50 : i32
      %lt3A_138 = arith.cmpi slt, %sub3A_136, %lt3A_137 : i32
      %convert_element_type3A_139 = arith.extui %lt3A_138 : i1 to i32
      %cond3A_140 = arith.constant 0 : i32
      %cond3A_141 = arith.cmpi ne, %convert_element_type3A_139, %cond3A_140 : i32
      scf.if %cond3A_141 {
        %add3A_307 = arith.constant 5 : i32
        %add3A_308 = arith.addi %add3A_116, %add3A_307 : i32
        %sub3A_309 = arith.constant 1 : i32
        %sub3A_310 = arith.subi %add3A_308, %sub3A_309 : i32
        %dma_start3A_311 = arith.constant 0 : i32
        %dma_start3A_312 = arith.constant 0 : i32
        %dma_start3A_313 = arith.constant 0 : i32
        %dma_start3A_314 = tpu.memref_slice %arg6[%dma_start3A_311, %dma_start3A_312, %dma_start3A_313] : memref<5x128x128xf32, #tpu.memory_space<vmem>> -> memref<1x128x128xf32, #tpu.memory_space<vmem>>
        %dma_start3A_315 = tpu.memref_squeeze %dma_start3A_314 : memref<1x128x128xf32, #tpu.memory_space<vmem>> -> memref<128x128xf32, #tpu.memory_space<vmem>>
        %dma_start3A_316 = arith.constant 0 : i32
        %dma_start3A_317 = tpu.memref_slice %arg5[%sub3A_310, %dma_start3A_316] : memref<50x128xi32, #tpu.memory_space<vmem>> -> memref<1x128xi32, #tpu.memory_space<vmem>>
        %dma_start3A_318 = tpu.memref_squeeze %dma_start3A_317 : memref<1x128xi32, #tpu.memory_space<vmem>> -> memref<128xi32, #tpu.memory_space<vmem>>
        %dma_start3A_319 = arith.constant 0 : i32
        %dma_start3A_320 = arith.constant 0 : i32
        %dma_start3A_321 = tpu.memref_slice %arg3[%dma_start3A_319, %dma_start3A_320] : memref<100000x128xf32, #tpu.memory_space<hbm>> -> memref<100000x128xf32, #tpu.memory_space<hbm>>
        tpu.enqueue_indirect_dma source(%dma_start3A_321 : memref<100000x128xf32, #tpu.memory_space<hbm>>) target(%dma_start3A_315 : memref<128x128xf32, #tpu.memory_space<vmem>>) offsets(%dma_start3A_318 : memref<128xi32, #tpu.memory_space<vmem>>) semaphore(%arg7 : memref<!tpu.dma_semaphore, #tpu.memory_space<semaphore_mem>>)
      } else {
      }
      %parallel_loop3A_142 = arith.constant 0 : i32
      %parallel_loop3A_143 = arith.constant 128 : i32
      %parallel_loop3A_144 = arith.constant 1 : i32
      scf.for %parallel_loop3A_307 = %parallel_loop3A_142 to %parallel_loop3A_143 step %parallel_loop3A_144  : i32 {
        %parallel_loop3A_308 = arith.constant 1 : i32
        %parallel_loop3A_309 = arith.index_cast %parallel_loop3A_308 : i32 to index
        %parallel_loop3A_310 = arith.index_cast %parallel_loop3A_307 : i32 to index
        %parallel_loop3A_311 = arith.constant 0 : index
        %parallel_loop3A_312 = tpu.vector_load %arg6[%parallel_loop3A_309, %parallel_loop3A_310, %parallel_loop3A_311] {strides = array<i32>} : memref<5x128x128xf32, #tpu.memory_space<vmem>>, vector<1x1x16xf32>,
        %parallel_loop3A_313 = vector.shape_cast %parallel_loop3A_312 : vector<1x1x16xf32> to vector<16xf32>
        %parallel_loop3A_314 = arith.constant 11.3137083 : f32
        %parallel_loop3A_315 = vector.broadcast %parallel_loop3A_314 : f32 to vector<16xf32>
        %parallel_loop3A_316 = arith.mulf %parallel_loop3A_313, %parallel_loop3A_315 : vector<16xf32>
        %parallel_loop3A_317 = arith.constant 1 : i32
        %parallel_loop3A_318 = arith.index_cast %parallel_loop3A_317 : i32 to index
        %parallel_loop3A_319 = arith.index_cast %parallel_loop3A_307 : i32 to index
        %parallel_loop3A_320 = arith.constant 0 : index
        %parallel_loop3A_321 = tpu.vector_load %arg6[%parallel_loop3A_318, %parallel_loop3A_319, %parallel_loop3A_320] {strides = array<i32>} : memref<5x128x128xf32, #tpu.memory_space<vmem>>, vector<1x1x16xf32>,
        %parallel_loop3A_322 = vector.shape_cast %parallel_loop3A_321 : vector<1x1x16xf32> to vector<16xf32>
        %parallel_loop3A_323 = vector.shape_cast %parallel_loop3A_316 : vector<16xf32> to vector<1x1x16xf32>
        tpu.vector_store %arg6[%parallel_loop3A_318, %parallel_loop3A_319, %parallel_loop3A_320], %parallel_loop3A_323 {strides = array<i32>} : memref<5x128x128xf32, #tpu.memory_space<vmem>>, vector<1x1x16xf32>,
        %parallel_loop3A_324 = arith.constant 1 : i32
        %parallel_loop3A_325 = arith.index_cast %parallel_loop3A_324 : i32 to index
        %parallel_loop3A_326 = arith.index_cast %parallel_loop3A_307 : i32 to index
        %parallel_loop3A_327 = arith.constant 16 : index
        %parallel_loop3A_328 = tpu.vector_load %arg6[%parallel_loop3A_325, %parallel_loop3A_326, %parallel_loop3A_327] {strides = array<i32>} : memref<5x128x128xf32, #tpu.memory_space<vmem>>, vector<1x1x16xf32>,
        %parallel_loop3A_329 = vector.shape_cast %parallel_loop3A_328 : vector<1x1x16xf32> to vector<16xf32>
        %parallel_loop3A_330 = arith.constant 11.3137083 : f32
        %parallel_loop3A_331 = vector.broadcast %parallel_loop3A_330 : f32 to vector<16xf32>
        %parallel_loop3A_332 = arith.mulf %parallel_loop3A_329, %parallel_loop3A_331 : vector<16xf32>
        %parallel_loop3A_333 = arith.constant 1 : i32
        %parallel_loop3A_334 = arith.index_cast %parallel_loop3A_333 : i32 to index
        %parallel_loop3A_335 = arith.index_cast %parallel_loop3A_307 : i32 to index
        %parallel_loop3A_336 = arith.constant 16 : index
        %parallel_loop3A_337 = tpu.vector_load %arg6[%parallel_loop3A_334, %parallel_loop3A_335, %parallel_loop3A_336] {strides = array<i32>} : memref<5x128x128xf32, #tpu.memory_space<vmem>>, vector<1x1x16xf32>,
        %parallel_loop3A_338 = vector.shape_cast %parallel_loop3A_337 : vector<1x1x16xf32> to vector<16xf32>
        %parallel_loop3A_339 = vector.shape_cast %parallel_loop3A_332 : vector<16xf32> to vector<1x1x16xf32>
        tpu.vector_store %arg6[%parallel_loop3A_334, %parallel_loop3A_335, %parallel_loop3A_336], %parallel_loop3A_339 {strides = array<i32>} : memref<5x128x128xf32, #tpu.memory_space<vmem>>, vector<1x1x16xf32>,
        %parallel_loop3A_340 = arith.constant 1 : i32
        %parallel_loop3A_341 = arith.index_cast %parallel_loop3A_340 : i32 to index
        %parallel_loop3A_342 = arith.index_cast %parallel_loop3A_307 : i32 to index
        %parallel_loop3A_343 = arith.constant 32 : index
        %parallel_loop3A_344 = tpu.vector_load %arg6[%parallel_loop3A_341, %parallel_loop3A_342, %parallel_loop3A_343] {strides = array<i32>} : memref<5x128x128xf32, #tpu.memory_space<vmem>>, vector<1x1x16xf32>,
        %parallel_loop3A_345 = vector.shape_cast %parallel_loop3A_344 : vector<1x1x16xf32> to vector<16xf32>
        %parallel_loop3A_346 = arith.constant 11.3137083 : f32
        %parallel_loop3A_347 = vector.broadcast %parallel_loop3A_346 : f32 to vector<16xf32>
        %parallel_loop3A_348 = arith.mulf %parallel_loop3A_345, %parallel_loop3A_347 : vector<16xf32>
        %parallel_loop3A_349 = arith.constant 1 : i32
        %parallel_loop3A_350 = arith.index_cast %parallel_loop3A_349 : i32 to index
        %parallel_loop3A_351 = arith.index_cast %parallel_loop3A_307 : i32 to index
        %parallel_loop3A_352 = arith.constant 32 : index
        %parallel_loop3A_353 = tpu.vector_load %arg6[%parallel_loop3A_350, %parallel_loop3A_351, %parallel_loop3A_352] {strides = array<i32>} : memref<5x128x128xf32, #tpu.memory_space<vmem>>, vector<1x1x16xf32>,
        %parallel_loop3A_354 = vector.shape_cast %parallel_loop3A_353 : vector<1x1x16xf32> to vector<16xf32>
        %parallel_loop3A_355 = vector.shape_cast %parallel_loop3A_348 : vector<16xf32> to vector<1x1x16xf32>
        tpu.vector_store %arg6[%parallel_loop3A_350, %parallel_loop3A_351, %parallel_loop3A_352], %parallel_loop3A_355 {strides = array<i32>} : memref<5x128x128xf32, #tpu.memory_space<vmem>>, vector<1x1x16xf32>,
        %parallel_loop3A_356 = arith.constant 1 : i32
        %parallel_loop3A_357 = arith.index_cast %parallel_loop3A_356 : i32 to index
        %parallel_loop3A_358 = arith.index_cast %parallel_loop3A_307 : i32 to index
        %parallel_loop3A_359 = arith.constant 48 : index
        %parallel_loop3A_360 = tpu.vector_load %arg6[%parallel_loop3A_357, %parallel_loop3A_358, %parallel_loop3A_359] {strides = array<i32>} : memref<5x128x128xf32, #tpu.memory_space<vmem>>, vector<1x1x16xf32>,
        %parallel_loop3A_361 = vector.shape_cast %parallel_loop3A_360 : vector<1x1x16xf32> to vector<16xf32>
        %parallel_loop3A_362 = arith.constant 11.3137083 : f32
        %parallel_loop3A_363 = vector.broadcast %parallel_loop3A_362 : f32 to vector<16xf32>
        %parallel_loop3A_364 = arith.mulf %parallel_loop3A_361, %parallel_loop3A_363 : vector<16xf32>
        %parallel_loop3A_365 = arith.constant 1 : i32
        %parallel_loop3A_366 = arith.index_cast %parallel_loop3A_365 : i32 to index
        %parallel_loop3A_367 = arith.index_cast %parallel_loop3A_307 : i32 to index
        %parallel_loop3A_368 = arith.constant 48 : index
        %parallel_loop3A_369 = tpu.vector_load %arg6[%parallel_loop3A_366, %parallel_loop3A_367, %parallel_loop3A_368] {strides = array<i32>} : memref<5x128x128xf32, #tpu.memory_space<vmem>>, vector<1x1x16xf32>,
        %parallel_loop3A_370 = vector.shape_cast %parallel_loop3A_369 : vector<1x1x16xf32> to vector<16xf32>
        %parallel_loop3A_371 = vector.shape_cast %parallel_loop3A_364 : vector<16xf32> to vector<1x1x16xf32>
        tpu.vector_store %arg6[%parallel_loop3A_366, %parallel_loop3A_367, %parallel_loop3A_368], %parallel_loop3A_371 {strides = array<i32>} : memref<5x128x128xf32, #tpu.memory_space<vmem>>, vector<1x1x16xf32>,
        %parallel_loop3A_372 = arith.constant 1 : i32
        %parallel_loop3A_373 = arith.index_cast %parallel_loop3A_372 : i32 to index
        %parallel_loop3A_374 = arith.index_cast %parallel_loop3A_307 : i32 to index
        %parallel_loop3A_375 = arith.constant 64 : index
        %parallel_loop3A_376 = tpu.vector_load %arg6[%parallel_loop3A_373, %parallel_loop3A_374, %parallel_loop3A_375] {strides = array<i32>} : memref<5x128x128xf32, #tpu.memory_space<vmem>>, vector<1x1x16xf32>,
        %parallel_loop3A_377 = vector.shape_cast %parallel_loop3A_376 : vector<1x1x16xf32> to vector<16xf32>
        %parallel_loop3A_378 = arith.constant 11.3137083 : f32
        %parallel_loop3A_379 = vector.broadcast %parallel_loop3A_378 : f32 to vector<16xf32>
        %parallel_loop3A_380 = arith.mulf %parallel_loop3A_377, %parallel_loop3A_379 : vector<16xf32>
        %parallel_loop3A_381 = arith.constant 1 : i32
        %parallel_loop3A_382 = arith.index_cast %parallel_loop3A_381 : i32 to index
        %parallel_loop3A_383 = arith.index_cast %parallel_loop3A_307 : i32 to index
        %parallel_loop3A_384 = arith.constant 64 : index
        %parallel_loop3A_385 = tpu.vector_load %arg6[%parallel_loop3A_382, %parallel_loop3A_383, %parallel_loop3A_384] {strides = array<i32>} : memref<5x128x128xf32, #tpu.memory_space<vmem>>, vector<1x1x16xf32>,
        %parallel_loop3A_386 = vector.shape_cast %parallel_loop3A_385 : vector<1x1x16xf32> to vector<16xf32>
        %parallel_loop3A_387 = vector.shape_cast %parallel_loop3A_380 : vector<16xf32> to vector<1x1x16xf32>
        tpu.vector_store %arg6[%parallel_loop3A_382, %parallel_loop3A_383, %parallel_loop3A_384], %parallel_loop3A_387 {strides = array<i32>} : memref<5x128x128xf32, #tpu.memory_space<vmem>>, vector<1x1x16xf32>,
        %parallel_loop3A_388 = arith.constant 1 : i32
        %parallel_loop3A_389 = arith.index_cast %parallel_loop3A_388 : i32 to index
        %parallel_loop3A_390 = arith.index_cast %parallel_loop3A_307 : i32 to index
        %parallel_loop3A_391 = arith.constant 80 : index
        %parallel_loop3A_392 = tpu.vector_load %arg6[%parallel_loop3A_389, %parallel_loop3A_390, %parallel_loop3A_391] {strides = array<i32>} : memref<5x128x128xf32, #tpu.memory_space<vmem>>, vector<1x1x16xf32>,
        %parallel_loop3A_393 = vector.shape_cast %parallel_loop3A_392 : vector<1x1x16xf32> to vector<16xf32>
        %parallel_loop3A_394 = arith.constant 11.3137083 : f32
        %parallel_loop3A_395 = vector.broadcast %parallel_loop3A_394 : f32 to vector<16xf32>
        %parallel_loop3A_396 = arith.mulf %parallel_loop3A_393, %parallel_loop3A_395 : vector<16xf32>
        %parallel_loop3A_397 = arith.constant 1 : i32
        %parallel_loop3A_398 = arith.index_cast %parallel_loop3A_397 : i32 to index
        %parallel_loop3A_399 = arith.index_cast %parallel_loop3A_307 : i32 to index
        %parallel_loop3A_400 = arith.constant 80 : index
        %parallel_loop3A_401 = tpu.vector_load %arg6[%parallel_loop3A_398, %parallel_loop3A_399, %parallel_loop3A_400] {strides = array<i32>} : memref<5x128x128xf32, #tpu.memory_space<vmem>>, vector<1x1x16xf32>,
        %parallel_loop3A_402 = vector.shape_cast %parallel_loop3A_401 : vector<1x1x16xf32> to vector<16xf32>
        %parallel_loop3A_403 = vector.shape_cast %parallel_loop3A_396 : vector<16xf32> to vector<1x1x16xf32>
        tpu.vector_store %arg6[%parallel_loop3A_398, %parallel_loop3A_399, %parallel_loop3A_400], %parallel_loop3A_403 {strides = array<i32>} : memref<5x128x128xf32, #tpu.memory_space<vmem>>, vector<1x1x16xf32>,
        %parallel_loop3A_404 = arith.constant 1 : i32
        %parallel_loop3A_405 = arith.index_cast %parallel_loop3A_404 : i32 to index
        %parallel_loop3A_406 = arith.index_cast %parallel_loop3A_307 : i32 to index
        %parallel_loop3A_407 = arith.constant 96 : index
        %parallel_loop3A_408 = tpu.vector_load %arg6[%parallel_loop3A_405, %parallel_loop3A_406, %parallel_loop3A_407] {strides = array<i32>} : memref<5x128x128xf32, #tpu.memory_space<vmem>>, vector<1x1x16xf32>,
        %parallel_loop3A_409 = vector.shape_cast %parallel_loop3A_408 : vector<1x1x16xf32> to vector<16xf32>
        %parallel_loop3A_410 = arith.constant 11.3137083 : f32
        %parallel_loop3A_411 = vector.broadcast %parallel_loop3A_410 : f32 to vector<16xf32>
        %parallel_loop3A_412 = arith.mulf %parallel_loop3A_409, %parallel_loop3A_411 : vector<16xf32>
        %parallel_loop3A_413 = arith.constant 1 : i32
        %parallel_loop3A_414 = arith.index_cast %parallel_loop3A_413 : i32 to index
        %parallel_loop3A_415 = arith.index_cast %parallel_loop3A_307 : i32 to index
        %parallel_loop3A_416 = arith.constant 96 : index
        %parallel_loop3A_417 = tpu.vector_load %arg6[%parallel_loop3A_414, %parallel_loop3A_415, %parallel_loop3A_416] {strides = array<i32>} : memref<5x128x128xf32, #tpu.memory_space<vmem>>, vector<1x1x16xf32>,
        %parallel_loop3A_418 = vector.shape_cast %parallel_loop3A_417 : vector<1x1x16xf32> to vector<16xf32>
        %parallel_loop3A_419 = vector.shape_cast %parallel_loop3A_412 : vector<16xf32> to vector<1x1x16xf32>
        tpu.vector_store %arg6[%parallel_loop3A_414, %parallel_loop3A_415, %parallel_loop3A_416], %parallel_loop3A_419 {strides = array<i32>} : memref<5x128x128xf32, #tpu.memory_space<vmem>>, vector<1x1x16xf32>,
        %parallel_loop3A_420 = arith.constant 1 : i32
        %parallel_loop3A_421 = arith.index_cast %parallel_loop3A_420 : i32 to index
        %parallel_loop3A_422 = arith.index_cast %parallel_loop3A_307 : i32 to index
        %parallel_loop3A_423 = arith.constant 112 : index
        %parallel_loop3A_424 = tpu.vector_load %arg6[%parallel_loop3A_421, %parallel_loop3A_422, %parallel_loop3A_423] {strides = array<i32>} : memref<5x128x128xf32, #tpu.memory_space<vmem>>, vector<1x1x16xf32>,
        %parallel_loop3A_425 = vector.shape_cast %parallel_loop3A_424 : vector<1x1x16xf32> to vector<16xf32>
        %parallel_loop3A_426 = arith.constant 11.3137083 : f32
        %parallel_loop3A_427 = vector.broadcast %parallel_loop3A_426 : f32 to vector<16xf32>
        %parallel_loop3A_428 = arith.mulf %parallel_loop3A_425, %parallel_loop3A_427 : vector<16xf32>
        %parallel_loop3A_429 = arith.constant 1 : i32
        %parallel_loop3A_430 = arith.index_cast %parallel_loop3A_429 : i32 to index
        %parallel_loop3A_431 = arith.index_cast %parallel_loop3A_307 : i32 to index
        %parallel_loop3A_432 = arith.constant 112 : index
        %parallel_loop3A_433 = tpu.vector_load %arg6[%parallel_loop3A_430, %parallel_loop3A_431, %parallel_loop3A_432] {strides = array<i32>} : memref<5x128x128xf32, #tpu.memory_space<vmem>>, vector<1x1x16xf32>,
        %parallel_loop3A_434 = vector.shape_cast %parallel_loop3A_433 : vector<1x1x16xf32> to vector<16xf32>
        %parallel_loop3A_435 = vector.shape_cast %parallel_loop3A_428 : vector<16xf32> to vector<1x1x16xf32>
        tpu.vector_store %arg6[%parallel_loop3A_430, %parallel_loop3A_431, %parallel_loop3A_432], %parallel_loop3A_435 {strides = array<i32>} : memref<5x128x128xf32, #tpu.memory_space<vmem>>, vector<1x1x16xf32>,
      } {sc.loop_unroll_factor = 4 : i64, sc.parallel_access}
      %mul3A_145 = arith.constant 4096 : i32
      %mul3A_146 = arith.muli %add3A_116, %mul3A_145 : i32
      %mul3A_147 = arith.constant 128 : i32
      %mul3A_148 = arith.muli %add3A, %mul3A_147 : i32
      %add3A_149 = arith.addi %mul3A_146, %mul3A_148 : i32
      %dma_start3A_150 = arith.constant 1 : i32
      %dma_start3A_151 = arith.constant 0 : i32
      %dma_start3A_152 = arith.constant 0 : i32
      %dma_start3A_153 = tpu.memref_slice %arg6[%dma_start3A_150, %dma_start3A_151, %dma_start3A_152] : memref<5x128x128xf32, #tpu.memory_space<vmem>> -> memref<1x128x128xf32, #tpu.memory_space<vmem>>
      %dma_start3A_154 = tpu.memref_squeeze %dma_start3A_153 : memref<1x128x128xf32, #tpu.memory_space<vmem>> -> memref<128x128xf32, #tpu.memory_space<vmem>>
      %dma_start3A_155 = arith.constant 0 : i32
      %dma_start3A_156 = tpu.memref_slice %arg4[%add3A_149, %dma_start3A_155] : memref<204800x128xf32, #tpu.memory_space<hbm>> -> memref<128x128xf32, #tpu.memory_space<hbm>>
      %dma_start3A_157 = arith.constant 0 : i32
      %dma_start3A_158 = tpu.memref_slice %arg4[%add3A_149, %dma_start3A_157] : memref<204800x128xf32, #tpu.memory_space<hbm>> -> memref<128x128xf32, #tpu.memory_space<hbm>>
      %dma_start3A_159 = arith.constant 0 : i32
      %dma_start3A_160 = arith.constant 0 : i32
      %dma_start3A_161 = tpu.memref_slice %arg6[%dma_start3A_150, %dma_start3A_159, %dma_start3A_160] : memref<5x128x128xf32, #tpu.memory_space<vmem>> -> memref<1x128x128xf32, #tpu.memory_space<vmem>>
      %dma_start3A_162 = tpu.memref_squeeze %dma_start3A_161 : memref<1x128x128xf32, #tpu.memory_space<vmem>> -> memref<128x128xf32, #tpu.memory_space<vmem>>
      tpu.enqueue_dma source(%dma_start3A_162 : memref<128x128xf32, #tpu.memory_space<vmem>>) target(%dma_start3A_158 : memref<128x128xf32, #tpu.memory_space<hbm>>) target_semaphore(%arg8 : memref<!tpu.dma_semaphore, #tpu.memory_space<semaphore_mem>>)
      %add3A_163 = arith.constant 2 : i32
      %add3A_164 = arith.addi %add3A_72, %add3A_163 : i32
      %dma_wait3A_165 = arith.constant 2 : i32
      %dma_wait3A_166 = arith.constant 0 : i32
      %dma_wait3A_167 = arith.constant 0 : i32
      %dma_wait3A_168 = tpu.memref_slice %arg6[%dma_wait3A_165, %dma_wait3A_166, %dma_wait3A_167] : memref<5x128x128xf32, #tpu.memory_space<vmem>> -> memref<1x128x128xf32, #tpu.memory_space<vmem>>
      %dma_wait3A_169 = tpu.memref_squeeze %dma_wait3A_168 : memref<1x128x128xf32, #tpu.memory_space<vmem>> -> memref<128x128xf32, #tpu.memory_space<vmem>>
      %dma_wait3A_170 = arith.constant 0 : i32
      %dma_wait3A_171 = tpu.memref_slice %arg5[%add3A_164, %dma_wait3A_170] : memref<50x128xi32, #tpu.memory_space<vmem>> -> memref<1x128xi32, #tpu.memory_space<vmem>>
      %dma_wait3A_172 = tpu.memref_squeeze %dma_wait3A_171 : memref<1x128xi32, #tpu.memory_space<vmem>> -> memref<128xi32, #tpu.memory_space<vmem>>
      %dma_wait3A_173 = arith.constant 0 : i32
      %dma_wait3A_174 = arith.constant 0 : i32
      %dma_wait3A_175 = tpu.memref_slice %arg3[%dma_wait3A_173, %dma_wait3A_174] : memref<100000x128xf32, #tpu.memory_space<hbm>> -> memref<100000x128xf32, #tpu.memory_space<hbm>>
      tpu.wait_indirect_dma semaphore(%arg7 : memref<!tpu.dma_semaphore, #tpu.memory_space<semaphore_mem>>) src(%dma_wait3A_175 : memref<100000x128xf32, #tpu.memory_space<hbm>>) dst(%dma_wait3A_169 : memref<128x128xf32, #tpu.memory_space<vmem>>)
      %gt3A_176 = arith.constant 0 : i32
      %gt3A_177 = arith.cmpi sgt, %add3A_164, %gt3A_176 : i32
      %convert_element_type3A_178 = arith.extui %gt3A_177 : i1 to i32
      %cond3A_179 = arith.constant 0 : i32
      %cond3A_180 = arith.cmpi ne, %convert_element_type3A_178, %cond3A_179 : i32
      scf.if %cond3A_180 {
        %sub3A_307 = arith.constant 1 : i32
        %sub3A_308 = arith.subi %add3A_164, %sub3A_307 : i32
        %mul3A_309 = arith.constant 4096 : i32
        %mul3A_310 = arith.muli %sub3A_308, %mul3A_309 : i32
        %mul3A_311 = arith.constant 128 : i32
        %mul3A_312 = arith.muli %add3A, %mul3A_311 : i32
        %add3A_313 = arith.addi %mul3A_310, %mul3A_312 : i32
        %dma_wait3A_314 = arith.constant 1 : i32
        %dma_wait3A_315 = arith.constant 0 : i32
        %dma_wait3A_316 = arith.constant 0 : i32
        %dma_wait3A_317 = tpu.memref_slice %arg6[%dma_wait3A_314, %dma_wait3A_315, %dma_wait3A_316] : memref<5x128x128xf32, #tpu.memory_space<vmem>> -> memref<1x128x128xf32, #tpu.memory_space<vmem>>
        %dma_wait3A_318 = tpu.memref_squeeze %dma_wait3A_317 : memref<1x128x128xf32, #tpu.memory_space<vmem>> -> memref<128x128xf32, #tpu.memory_space<vmem>>
        %dma_wait3A_319 = arith.constant 0 : i32
        %dma_wait3A_320 = tpu.memref_slice %arg4[%add3A_313, %dma_wait3A_319] : memref<204800x128xf32, #tpu.memory_space<hbm>> -> memref<128x128xf32, #tpu.memory_space<hbm>>
        %dma_wait3A_321 = arith.constant 0 : i32
        %dma_wait3A_322 = tpu.memref_slice %arg4[%add3A_313, %dma_wait3A_321] : memref<204800x128xf32, #tpu.memory_space<hbm>> -> memref<128x128xf32, #tpu.memory_space<hbm>>
        %dma_wait3A_323 = arith.constant 0 : i32
        %dma_wait3A_324 = arith.constant 0 : i32
        %dma_wait3A_325 = tpu.memref_slice %arg6[%dma_wait3A_314, %dma_wait3A_323, %dma_wait3A_324] : memref<5x128x128xf32, #tpu.memory_space<vmem>> -> memref<1x128x128xf32, #tpu.memory_space<vmem>>
        %dma_wait3A_326 = tpu.memref_squeeze %dma_wait3A_325 : memref<1x128x128xf32, #tpu.memory_space<vmem>> -> memref<128x128xf32, #tpu.memory_space<vmem>>
        tpu.wait_dma2 semaphore(%arg8 : memref<!tpu.dma_semaphore, #tpu.memory_space<semaphore_mem>>) src(%dma_wait3A_326 : memref<128x128xf32, #tpu.memory_space<vmem>>) dst(%dma_wait3A_322 : memref<128x128xf32, #tpu.memory_space<hbm>>)
      } else {
      }
      %add3A_181 = arith.constant 5 : i32
      %add3A_182 = arith.addi %add3A_164, %add3A_181 : i32
      %sub3A_183 = arith.constant 1 : i32
      %sub3A_184 = arith.subi %add3A_182, %sub3A_183 : i32
      %lt3A_185 = arith.constant 50 : i32
      %lt3A_186 = arith.cmpi slt, %sub3A_184, %lt3A_185 : i32
      %convert_element_type3A_187 = arith.extui %lt3A_186 : i1 to i32
      %cond3A_188 = arith.constant 0 : i32
      %cond3A_189 = arith.cmpi ne, %convert_element_type3A_187, %cond3A_188 : i32
      scf.if %cond3A_189 {
        %add3A_307 = arith.constant 5 : i32
        %add3A_308 = arith.addi %add3A_164, %add3A_307 : i32
        %sub3A_309 = arith.constant 1 : i32
        %sub3A_310 = arith.subi %add3A_308, %sub3A_309 : i32
        %dma_start3A_311 = arith.constant 1 : i32
        %dma_start3A_312 = arith.constant 0 : i32
        %dma_start3A_313 = arith.constant 0 : i32
        %dma_start3A_314 = tpu.memref_slice %arg6[%dma_start3A_311, %dma_start3A_312, %dma_start3A_313] : memref<5x128x128xf32, #tpu.memory_space<vmem>> -> memref<1x128x128xf32, #tpu.memory_space<vmem>>
        %dma_start3A_315 = tpu.memref_squeeze %dma_start3A_314 : memref<1x128x128xf32, #tpu.memory_space<vmem>> -> memref<128x128xf32, #tpu.memory_space<vmem>>
        %dma_start3A_316 = arith.constant 0 : i32
        %dma_start3A_317 = tpu.memref_slice %arg5[%sub3A_310, %dma_start3A_316] : memref<50x128xi32, #tpu.memory_space<vmem>> -> memref<1x128xi32, #tpu.memory_space<vmem>>
        %dma_start3A_318 = tpu.memref_squeeze %dma_start3A_317 : memref<1x128xi32, #tpu.memory_space<vmem>> -> memref<128xi32, #tpu.memory_space<vmem>>
        %dma_start3A_319 = arith.constant 0 : i32
        %dma_start3A_320 = arith.constant 0 : i32
        %dma_start3A_321 = tpu.memref_slice %arg3[%dma_start3A_319, %dma_start3A_320] : memref<100000x128xf32, #tpu.memory_space<hbm>> -> memref<100000x128xf32, #tpu.memory_space<hbm>>
        tpu.enqueue_indirect_dma source(%dma_start3A_321 : memref<100000x128xf32, #tpu.memory_space<hbm>>) target(%dma_start3A_315 : memref<128x128xf32, #tpu.memory_space<vmem>>) offsets(%dma_start3A_318 : memref<128xi32, #tpu.memory_space<vmem>>) semaphore(%arg7 : memref<!tpu.dma_semaphore, #tpu.memory_space<semaphore_mem>>)
      } else {
      }
      %parallel_loop3A_190 = arith.constant 0 : i32
      %parallel_loop3A_191 = arith.constant 128 : i32
      %parallel_loop3A_192 = arith.constant 1 : i32
      scf.for %parallel_loop3A_307 = %parallel_loop3A_190 to %parallel_loop3A_191 step %parallel_loop3A_192  : i32 {
        %parallel_loop3A_308 = arith.constant 2 : i32
        %parallel_loop3A_309 = arith.index_cast %parallel_loop3A_308 : i32 to index
        %parallel_loop3A_310 = arith.index_cast %parallel_loop3A_307 : i32 to index
        %parallel_loop3A_311 = arith.constant 0 : index
        %parallel_loop3A_312 = tpu.vector_load %arg6[%parallel_loop3A_309, %parallel_loop3A_310, %parallel_loop3A_311] {strides = array<i32>} : memref<5x128x128xf32, #tpu.memory_space<vmem>>, vector<1x1x16xf32>,
        %parallel_loop3A_313 = vector.shape_cast %parallel_loop3A_312 : vector<1x1x16xf32> to vector<16xf32>
        %parallel_loop3A_314 = arith.constant 11.3137083 : f32
        %parallel_loop3A_315 = vector.broadcast %parallel_loop3A_314 : f32 to vector<16xf32>
        %parallel_loop3A_316 = arith.mulf %parallel_loop3A_313, %parallel_loop3A_315 : vector<16xf32>
        %parallel_loop3A_317 = arith.constant 2 : i32
        %parallel_loop3A_318 = arith.index_cast %parallel_loop3A_317 : i32 to index
        %parallel_loop3A_319 = arith.index_cast %parallel_loop3A_307 : i32 to index
        %parallel_loop3A_320 = arith.constant 0 : index
        %parallel_loop3A_321 = tpu.vector_load %arg6[%parallel_loop3A_318, %parallel_loop3A_319, %parallel_loop3A_320] {strides = array<i32>} : memref<5x128x128xf32, #tpu.memory_space<vmem>>, vector<1x1x16xf32>,
        %parallel_loop3A_322 = vector.shape_cast %parallel_loop3A_321 : vector<1x1x16xf32> to vector<16xf32>
        %parallel_loop3A_323 = vector.shape_cast %parallel_loop3A_316 : vector<16xf32> to vector<1x1x16xf32>
        tpu.vector_store %arg6[%parallel_loop3A_318, %parallel_loop3A_319, %parallel_loop3A_320], %parallel_loop3A_323 {strides = array<i32>} : memref<5x128x128xf32, #tpu.memory_space<vmem>>, vector<1x1x16xf32>,
        %parallel_loop3A_324 = arith.constant 2 : i32
        %parallel_loop3A_325 = arith.index_cast %parallel_loop3A_324 : i32 to index
        %parallel_loop3A_326 = arith.index_cast %parallel_loop3A_307 : i32 to index
        %parallel_loop3A_327 = arith.constant 16 : index
        %parallel_loop3A_328 = tpu.vector_load %arg6[%parallel_loop3A_325, %parallel_loop3A_326, %parallel_loop3A_327] {strides = array<i32>} : memref<5x128x128xf32, #tpu.memory_space<vmem>>, vector<1x1x16xf32>,
        %parallel_loop3A_329 = vector.shape_cast %parallel_loop3A_328 : vector<1x1x16xf32> to vector<16xf32>
        %parallel_loop3A_330 = arith.constant 11.3137083 : f32
        %parallel_loop3A_331 = vector.broadcast %parallel_loop3A_330 : f32 to vector<16xf32>
        %parallel_loop3A_332 = arith.mulf %parallel_loop3A_329, %parallel_loop3A_331 : vector<16xf32>
        %parallel_loop3A_333 = arith.constant 2 : i32
        %parallel_loop3A_334 = arith.index_cast %parallel_loop3A_333 : i32 to index
        %parallel_loop3A_335 = arith.index_cast %parallel_loop3A_307 : i32 to index
        %parallel_loop3A_336 = arith.constant 16 : index
        %parallel_loop3A_337 = tpu.vector_load %arg6[%parallel_loop3A_334, %parallel_loop3A_335, %parallel_loop3A_336] {strides = array<i32>} : memref<5x128x128xf32, #tpu.memory_space<vmem>>, vector<1x1x16xf32>,
        %parallel_loop3A_338 = vector.shape_cast %parallel_loop3A_337 : vector<1x1x16xf32> to vector<16xf32>
        %parallel_loop3A_339 = vector.shape_cast %parallel_loop3A_332 : vector<16xf32> to vector<1x1x16xf32>
        tpu.vector_store %arg6[%parallel_loop3A_334, %parallel_loop3A_335, %parallel_loop3A_336], %parallel_loop3A_339 {strides = array<i32>} : memref<5x128x128xf32, #tpu.memory_space<vmem>>, vector<1x1x16xf32>,
        %parallel_loop3A_340 = arith.constant 2 : i32
        %parallel_loop3A_341 = arith.index_cast %parallel_loop3A_340 : i32 to index
        %parallel_loop3A_342 = arith.index_cast %parallel_loop3A_307 : i32 to index
        %parallel_loop3A_343 = arith.constant 32 : index
        %parallel_loop3A_344 = tpu.vector_load %arg6[%parallel_loop3A_341, %parallel_loop3A_342, %parallel_loop3A_343] {strides = array<i32>} : memref<5x128x128xf32, #tpu.memory_space<vmem>>, vector<1x1x16xf32>,
        %parallel_loop3A_345 = vector.shape_cast %parallel_loop3A_344 : vector<1x1x16xf32> to vector<16xf32>
        %parallel_loop3A_346 = arith.constant 11.3137083 : f32
        %parallel_loop3A_347 = vector.broadcast %parallel_loop3A_346 : f32 to vector<16xf32>
        %parallel_loop3A_348 = arith.mulf %parallel_loop3A_345, %parallel_loop3A_347 : vector<16xf32>
        %parallel_loop3A_349 = arith.constant 2 : i32
        %parallel_loop3A_350 = arith.index_cast %parallel_loop3A_349 : i32 to index
        %parallel_loop3A_351 = arith.index_cast %parallel_loop3A_307 : i32 to index
        %parallel_loop3A_352 = arith.constant 32 : index
        %parallel_loop3A_353 = tpu.vector_load %arg6[%parallel_loop3A_350, %parallel_loop3A_351, %parallel_loop3A_352] {strides = array<i32>} : memref<5x128x128xf32, #tpu.memory_space<vmem>>, vector<1x1x16xf32>,
        %parallel_loop3A_354 = vector.shape_cast %parallel_loop3A_353 : vector<1x1x16xf32> to vector<16xf32>
        %parallel_loop3A_355 = vector.shape_cast %parallel_loop3A_348 : vector<16xf32> to vector<1x1x16xf32>
        tpu.vector_store %arg6[%parallel_loop3A_350, %parallel_loop3A_351, %parallel_loop3A_352], %parallel_loop3A_355 {strides = array<i32>} : memref<5x128x128xf32, #tpu.memory_space<vmem>>, vector<1x1x16xf32>,
        %parallel_loop3A_356 = arith.constant 2 : i32
        %parallel_loop3A_357 = arith.index_cast %parallel_loop3A_356 : i32 to index
        %parallel_loop3A_358 = arith.index_cast %parallel_loop3A_307 : i32 to index
        %parallel_loop3A_359 = arith.constant 48 : index
        %parallel_loop3A_360 = tpu.vector_load %arg6[%parallel_loop3A_357, %parallel_loop3A_358, %parallel_loop3A_359] {strides = array<i32>} : memref<5x128x128xf32, #tpu.memory_space<vmem>>, vector<1x1x16xf32>,
        %parallel_loop3A_361 = vector.shape_cast %parallel_loop3A_360 : vector<1x1x16xf32> to vector<16xf32>
        %parallel_loop3A_362 = arith.constant 11.3137083 : f32
        %parallel_loop3A_363 = vector.broadcast %parallel_loop3A_362 : f32 to vector<16xf32>
        %parallel_loop3A_364 = arith.mulf %parallel_loop3A_361, %parallel_loop3A_363 : vector<16xf32>
        %parallel_loop3A_365 = arith.constant 2 : i32
        %parallel_loop3A_366 = arith.index_cast %parallel_loop3A_365 : i32 to index
        %parallel_loop3A_367 = arith.index_cast %parallel_loop3A_307 : i32 to index
        %parallel_loop3A_368 = arith.constant 48 : index
        %parallel_loop3A_369 = tpu.vector_load %arg6[%parallel_loop3A_366, %parallel_loop3A_367, %parallel_loop3A_368] {strides = array<i32>} : memref<5x128x128xf32, #tpu.memory_space<vmem>>, vector<1x1x16xf32>,
        %parallel_loop3A_370 = vector.shape_cast %parallel_loop3A_369 : vector<1x1x16xf32> to vector<16xf32>
        %parallel_loop3A_371 = vector.shape_cast %parallel_loop3A_364 : vector<16xf32> to vector<1x1x16xf32>
        tpu.vector_store %arg6[%parallel_loop3A_366, %parallel_loop3A_367, %parallel_loop3A_368], %parallel_loop3A_371 {strides = array<i32>} : memref<5x128x128xf32, #tpu.memory_space<vmem>>, vector<1x1x16xf32>,
        %parallel_loop3A_372 = arith.constant 2 : i32
        %parallel_loop3A_373 = arith.index_cast %parallel_loop3A_372 : i32 to index
        %parallel_loop3A_374 = arith.index_cast %parallel_loop3A_307 : i32 to index
        %parallel_loop3A_375 = arith.constant 64 : index
        %parallel_loop3A_376 = tpu.vector_load %arg6[%parallel_loop3A_373, %parallel_loop3A_374, %parallel_loop3A_375] {strides = array<i32>} : memref<5x128x128xf32, #tpu.memory_space<vmem>>, vector<1x1x16xf32>,
        %parallel_loop3A_377 = vector.shape_cast %parallel_loop3A_376 : vector<1x1x16xf32> to vector<16xf32>
        %parallel_loop3A_378 = arith.constant 11.3137083 : f32
        %parallel_loop3A_379 = vector.broadcast %parallel_loop3A_378 : f32 to vector<16xf32>
        %parallel_loop3A_380 = arith.mulf %parallel_loop3A_377, %parallel_loop3A_379 : vector<16xf32>
        %parallel_loop3A_381 = arith.constant 2 : i32
        %parallel_loop3A_382 = arith.index_cast %parallel_loop3A_381 : i32 to index
        %parallel_loop3A_383 = arith.index_cast %parallel_loop3A_307 : i32 to index
        %parallel_loop3A_384 = arith.constant 64 : index
        %parallel_loop3A_385 = tpu.vector_load %arg6[%parallel_loop3A_382, %parallel_loop3A_383, %parallel_loop3A_384] {strides = array<i32>} : memref<5x128x128xf32, #tpu.memory_space<vmem>>, vector<1x1x16xf32>,
        %parallel_loop3A_386 = vector.shape_cast %parallel_loop3A_385 : vector<1x1x16xf32> to vector<16xf32>
        %parallel_loop3A_387 = vector.shape_cast %parallel_loop3A_380 : vector<16xf32> to vector<1x1x16xf32>
        tpu.vector_store %arg6[%parallel_loop3A_382, %parallel_loop3A_383, %parallel_loop3A_384], %parallel_loop3A_387 {strides = array<i32>} : memref<5x128x128xf32, #tpu.memory_space<vmem>>, vector<1x1x16xf32>,
        %parallel_loop3A_388 = arith.constant 2 : i32
        %parallel_loop3A_389 = arith.index_cast %parallel_loop3A_388 : i32 to index
        %parallel_loop3A_390 = arith.index_cast %parallel_loop3A_307 : i32 to index
        %parallel_loop3A_391 = arith.constant 80 : index
        %parallel_loop3A_392 = tpu.vector_load %arg6[%parallel_loop3A_389, %parallel_loop3A_390, %parallel_loop3A_391] {strides = array<i32>} : memref<5x128x128xf32, #tpu.memory_space<vmem>>, vector<1x1x16xf32>,
        %parallel_loop3A_393 = vector.shape_cast %parallel_loop3A_392 : vector<1x1x16xf32> to vector<16xf32>
        %parallel_loop3A_394 = arith.constant 11.3137083 : f32
        %parallel_loop3A_395 = vector.broadcast %parallel_loop3A_394 : f32 to vector<16xf32>
        %parallel_loop3A_396 = arith.mulf %parallel_loop3A_393, %parallel_loop3A_395 : vector<16xf32>
        %parallel_loop3A_397 = arith.constant 2 : i32
        %parallel_loop3A_398 = arith.index_cast %parallel_loop3A_397 : i32 to index
        %parallel_loop3A_399 = arith.index_cast %parallel_loop3A_307 : i32 to index
        %parallel_loop3A_400 = arith.constant 80 : index
        %parallel_loop3A_401 = tpu.vector_load %arg6[%parallel_loop3A_398, %parallel_loop3A_399, %parallel_loop3A_400] {strides = array<i32>} : memref<5x128x128xf32, #tpu.memory_space<vmem>>, vector<1x1x16xf32>,
        %parallel_loop3A_402 = vector.shape_cast %parallel_loop3A_401 : vector<1x1x16xf32> to vector<16xf32>
        %parallel_loop3A_403 = vector.shape_cast %parallel_loop3A_396 : vector<16xf32> to vector<1x1x16xf32>
        tpu.vector_store %arg6[%parallel_loop3A_398, %parallel_loop3A_399, %parallel_loop3A_400], %parallel_loop3A_403 {strides = array<i32>} : memref<5x128x128xf32, #tpu.memory_space<vmem>>, vector<1x1x16xf32>,
        %parallel_loop3A_404 = arith.constant 2 : i32
        %parallel_loop3A_405 = arith.index_cast %parallel_loop3A_404 : i32 to index
        %parallel_loop3A_406 = arith.index_cast %parallel_loop3A_307 : i32 to index
        %parallel_loop3A_407 = arith.constant 96 : index
        %parallel_loop3A_408 = tpu.vector_load %arg6[%parallel_loop3A_405, %parallel_loop3A_406, %parallel_loop3A_407] {strides = array<i32>} : memref<5x128x128xf32, #tpu.memory_space<vmem>>, vector<1x1x16xf32>,
        %parallel_loop3A_409 = vector.shape_cast %parallel_loop3A_408 : vector<1x1x16xf32> to vector<16xf32>
        %parallel_loop3A_410 = arith.constant 11.3137083 : f32
        %parallel_loop3A_411 = vector.broadcast %parallel_loop3A_410 : f32 to vector<16xf32>
        %parallel_loop3A_412 = arith.mulf %parallel_loop3A_409, %parallel_loop3A_411 : vector<16xf32>
        %parallel_loop3A_413 = arith.constant 2 : i32
        %parallel_loop3A_414 = arith.index_cast %parallel_loop3A_413 : i32 to index
        %parallel_loop3A_415 = arith.index_cast %parallel_loop3A_307 : i32 to index
        %parallel_loop3A_416 = arith.constant 96 : index
        %parallel_loop3A_417 = tpu.vector_load %arg6[%parallel_loop3A_414, %parallel_loop3A_415, %parallel_loop3A_416] {strides = array<i32>} : memref<5x128x128xf32, #tpu.memory_space<vmem>>, vector<1x1x16xf32>,
        %parallel_loop3A_418 = vector.shape_cast %parallel_loop3A_417 : vector<1x1x16xf32> to vector<16xf32>
        %parallel_loop3A_419 = vector.shape_cast %parallel_loop3A_412 : vector<16xf32> to vector<1x1x16xf32>
        tpu.vector_store %arg6[%parallel_loop3A_414, %parallel_loop3A_415, %parallel_loop3A_416], %parallel_loop3A_419 {strides = array<i32>} : memref<5x128x128xf32, #tpu.memory_space<vmem>>, vector<1x1x16xf32>,
        %parallel_loop3A_420 = arith.constant 2 : i32
        %parallel_loop3A_421 = arith.index_cast %parallel_loop3A_420 : i32 to index
        %parallel_loop3A_422 = arith.index_cast %parallel_loop3A_307 : i32 to index
        %parallel_loop3A_423 = arith.constant 112 : index
        %parallel_loop3A_424 = tpu.vector_load %arg6[%parallel_loop3A_421, %parallel_loop3A_422, %parallel_loop3A_423] {strides = array<i32>} : memref<5x128x128xf32, #tpu.memory_space<vmem>>, vector<1x1x16xf32>,
        %parallel_loop3A_425 = vector.shape_cast %parallel_loop3A_424 : vector<1x1x16xf32> to vector<16xf32>
        %parallel_loop3A_426 = arith.constant 11.3137083 : f32
        %parallel_loop3A_427 = vector.broadcast %parallel_loop3A_426 : f32 to vector<16xf32>
        %parallel_loop3A_428 = arith.mulf %parallel_loop3A_425, %parallel_loop3A_427 : vector<16xf32>
        %parallel_loop3A_429 = arith.constant 2 : i32
        %parallel_loop3A_430 = arith.index_cast %parallel_loop3A_429 : i32 to index
        %parallel_loop3A_431 = arith.index_cast %parallel_loop3A_307 : i32 to index
        %parallel_loop3A_432 = arith.constant 112 : index
        %parallel_loop3A_433 = tpu.vector_load %arg6[%parallel_loop3A_430, %parallel_loop3A_431, %parallel_loop3A_432] {strides = array<i32>} : memref<5x128x128xf32, #tpu.memory_space<vmem>>, vector<1x1x16xf32>,
        %parallel_loop3A_434 = vector.shape_cast %parallel_loop3A_433 : vector<1x1x16xf32> to vector<16xf32>
        %parallel_loop3A_435 = vector.shape_cast %parallel_loop3A_428 : vector<16xf32> to vector<1x1x16xf32>
        tpu.vector_store %arg6[%parallel_loop3A_430, %parallel_loop3A_431, %parallel_loop3A_432], %parallel_loop3A_435 {strides = array<i32>} : memref<5x128x128xf32, #tpu.memory_space<vmem>>, vector<1x1x16xf32>,
      } {sc.loop_unroll_factor = 4 : i64, sc.parallel_access}
      %mul3A_193 = arith.constant 4096 : i32
      %mul3A_194 = arith.muli %add3A_164, %mul3A_193 : i32
      %mul3A_195 = arith.constant 128 : i32
      %mul3A_196 = arith.muli %add3A, %mul3A_195 : i32
      %add3A_197 = arith.addi %mul3A_194, %mul3A_196 : i32
      %dma_start3A_198 = arith.constant 2 : i32
      %dma_start3A_199 = arith.constant 0 : i32
      %dma_start3A_200 = arith.constant 0 : i32
      %dma_start3A_201 = tpu.memref_slice %arg6[%dma_start3A_198, %dma_start3A_199, %dma_start3A_200] : memref<5x128x128xf32, #tpu.memory_space<vmem>> -> memref<1x128x128xf32, #tpu.memory_space<vmem>>
      %dma_start3A_202 = tpu.memref_squeeze %dma_start3A_201 : memref<1x128x128xf32, #tpu.memory_space<vmem>> -> memref<128x128xf32, #tpu.memory_space<vmem>>
      %dma_start3A_203 = arith.constant 0 : i32
      %dma_start3A_204 = tpu.memref_slice %arg4[%add3A_197, %dma_start3A_203] : memref<204800x128xf32, #tpu.memory_space<hbm>> -> memref<128x128xf32, #tpu.memory_space<hbm>>
      %dma_start3A_205 = arith.constant 0 : i32
      %dma_start3A_206 = tpu.memref_slice %arg4[%add3A_197, %dma_start3A_205] : memref<204800x128xf32, #tpu.memory_space<hbm>> -> memref<128x128xf32, #tpu.memory_space<hbm>>
      %dma_start3A_207 = arith.constant 0 : i32
      %dma_start3A_208 = arith.constant 0 : i32
      %dma_start3A_209 = tpu.memref_slice %arg6[%dma_start3A_198, %dma_start3A_207, %dma_start3A_208] : memref<5x128x128xf32, #tpu.memory_space<vmem>> -> memref<1x128x128xf32, #tpu.memory_space<vmem>>
      %dma_start3A_210 = tpu.memref_squeeze %dma_start3A_209 : memref<1x128x128xf32, #tpu.memory_space<vmem>> -> memref<128x128xf32, #tpu.memory_space<vmem>>
      tpu.enqueue_dma source(%dma_start3A_210 : memref<128x128xf32, #tpu.memory_space<vmem>>) target(%dma_start3A_206 : memref<128x128xf32, #tpu.memory_space<hbm>>) target_semaphore(%arg8 : memref<!tpu.dma_semaphore, #tpu.memory_space<semaphore_mem>>)
      %add3A_211 = arith.constant 3 : i32
      %add3A_212 = arith.addi %add3A_72, %add3A_211 : i32
      %dma_wait3A_213 = arith.constant 3 : i32
      %dma_wait3A_214 = arith.constant 0 : i32
      %dma_wait3A_215 = arith.constant 0 : i32
      %dma_wait3A_216 = tpu.memref_slice %arg6[%dma_wait3A_213, %dma_wait3A_214, %dma_wait3A_215] : memref<5x128x128xf32, #tpu.memory_space<vmem>> -> memref<1x128x128xf32, #tpu.memory_space<vmem>>
      %dma_wait3A_217 = tpu.memref_squeeze %dma_wait3A_216 : memref<1x128x128xf32, #tpu.memory_space<vmem>> -> memref<128x128xf32, #tpu.memory_space<vmem>>
      %dma_wait3A_218 = arith.constant 0 : i32
      %dma_wait3A_219 = tpu.memref_slice %arg5[%add3A_212, %dma_wait3A_218] : memref<50x128xi32, #tpu.memory_space<vmem>> -> memref<1x128xi32, #tpu.memory_space<vmem>>
      %dma_wait3A_220 = tpu.memref_squeeze %dma_wait3A_219 : memref<1x128xi32, #tpu.memory_space<vmem>> -> memref<128xi32, #tpu.memory_space<vmem>>
      %dma_wait3A_221 = arith.constant 0 : i32
      %dma_wait3A_222 = arith.constant 0 : i32
      %dma_wait3A_223 = tpu.memref_slice %arg3[%dma_wait3A_221, %dma_wait3A_222] : memref<100000x128xf32, #tpu.memory_space<hbm>> -> memref<100000x128xf32, #tpu.memory_space<hbm>>
      tpu.wait_indirect_dma semaphore(%arg7 : memref<!tpu.dma_semaphore, #tpu.memory_space<semaphore_mem>>) src(%dma_wait3A_223 : memref<100000x128xf32, #tpu.memory_space<hbm>>) dst(%dma_wait3A_217 : memref<128x128xf32, #tpu.memory_space<vmem>>)
      %gt3A_224 = arith.constant 0 : i32
      %gt3A_225 = arith.cmpi sgt, %add3A_212, %gt3A_224 : i32
      %convert_element_type3A_226 = arith.extui %gt3A_225 : i1 to i32
      %cond3A_227 = arith.constant 0 : i32
      %cond3A_228 = arith.cmpi ne, %convert_element_type3A_226, %cond3A_227 : i32
      scf.if %cond3A_228 {
        %sub3A_307 = arith.constant 1 : i32
        %sub3A_308 = arith.subi %add3A_212, %sub3A_307 : i32
        %mul3A_309 = arith.constant 4096 : i32
        %mul3A_310 = arith.muli %sub3A_308, %mul3A_309 : i32
        %mul3A_311 = arith.constant 128 : i32
        %mul3A_312 = arith.muli %add3A, %mul3A_311 : i32
        %add3A_313 = arith.addi %mul3A_310, %mul3A_312 : i32
        %dma_wait3A_314 = arith.constant 2 : i32
        %dma_wait3A_315 = arith.constant 0 : i32
        %dma_wait3A_316 = arith.constant 0 : i32
        %dma_wait3A_317 = tpu.memref_slice %arg6[%dma_wait3A_314, %dma_wait3A_315, %dma_wait3A_316] : memref<5x128x128xf32, #tpu.memory_space<vmem>> -> memref<1x128x128xf32, #tpu.memory_space<vmem>>
        %dma_wait3A_318 = tpu.memref_squeeze %dma_wait3A_317 : memref<1x128x128xf32, #tpu.memory_space<vmem>> -> memref<128x128xf32, #tpu.memory_space<vmem>>
        %dma_wait3A_319 = arith.constant 0 : i32
        %dma_wait3A_320 = tpu.memref_slice %arg4[%add3A_313, %dma_wait3A_319] : memref<204800x128xf32, #tpu.memory_space<hbm>> -> memref<128x128xf32, #tpu.memory_space<hbm>>
        %dma_wait3A_321 = arith.constant 0 : i32
        %dma_wait3A_322 = tpu.memref_slice %arg4[%add3A_313, %dma_wait3A_321] : memref<204800x128xf32, #tpu.memory_space<hbm>> -> memref<128x128xf32, #tpu.memory_space<hbm>>
        %dma_wait3A_323 = arith.constant 0 : i32
        %dma_wait3A_324 = arith.constant 0 : i32
        %dma_wait3A_325 = tpu.memref_slice %arg6[%dma_wait3A_314, %dma_wait3A_323, %dma_wait3A_324] : memref<5x128x128xf32, #tpu.memory_space<vmem>> -> memref<1x128x128xf32, #tpu.memory_space<vmem>>
        %dma_wait3A_326 = tpu.memref_squeeze %dma_wait3A_325 : memref<1x128x128xf32, #tpu.memory_space<vmem>> -> memref<128x128xf32, #tpu.memory_space<vmem>>
        tpu.wait_dma2 semaphore(%arg8 : memref<!tpu.dma_semaphore, #tpu.memory_space<semaphore_mem>>) src(%dma_wait3A_326 : memref<128x128xf32, #tpu.memory_space<vmem>>) dst(%dma_wait3A_322 : memref<128x128xf32, #tpu.memory_space<hbm>>)
      } else {
      }
      %add3A_229 = arith.constant 5 : i32
      %add3A_230 = arith.addi %add3A_212, %add3A_229 : i32
      %sub3A_231 = arith.constant 1 : i32
      %sub3A_232 = arith.subi %add3A_230, %sub3A_231 : i32
      %lt3A_233 = arith.constant 50 : i32
      %lt3A_234 = arith.cmpi slt, %sub3A_232, %lt3A_233 : i32
      %convert_element_type3A_235 = arith.extui %lt3A_234 : i1 to i32
      %cond3A_236 = arith.constant 0 : i32
      %cond3A_237 = arith.cmpi ne, %convert_element_type3A_235, %cond3A_236 : i32
      scf.if %cond3A_237 {
        %add3A_307 = arith.constant 5 : i32
        %add3A_308 = arith.addi %add3A_212, %add3A_307 : i32
        %sub3A_309 = arith.constant 1 : i32
        %sub3A_310 = arith.subi %add3A_308, %sub3A_309 : i32
        %dma_start3A_311 = arith.constant 2 : i32
        %dma_start3A_312 = arith.constant 0 : i32
        %dma_start3A_313 = arith.constant 0 : i32
        %dma_start3A_314 = tpu.memref_slice %arg6[%dma_start3A_311, %dma_start3A_312, %dma_start3A_313] : memref<5x128x128xf32, #tpu.memory_space<vmem>> -> memref<1x128x128xf32, #tpu.memory_space<vmem>>
        %dma_start3A_315 = tpu.memref_squeeze %dma_start3A_314 : memref<1x128x128xf32, #tpu.memory_space<vmem>> -> memref<128x128xf32, #tpu.memory_space<vmem>>
        %dma_start3A_316 = arith.constant 0 : i32
        %dma_start3A_317 = tpu.memref_slice %arg5[%sub3A_310, %dma_start3A_316] : memref<50x128xi32, #tpu.memory_space<vmem>> -> memref<1x128xi32, #tpu.memory_space<vmem>>
        %dma_start3A_318 = tpu.memref_squeeze %dma_start3A_317 : memref<1x128xi32, #tpu.memory_space<vmem>> -> memref<128xi32, #tpu.memory_space<vmem>>
        %dma_start3A_319 = arith.constant 0 : i32
        %dma_start3A_320 = arith.constant 0 : i32
        %dma_start3A_321 = tpu.memref_slice %arg3[%dma_start3A_319, %dma_start3A_320] : memref<100000x128xf32, #tpu.memory_space<hbm>> -> memref<100000x128xf32, #tpu.memory_space<hbm>>
        tpu.enqueue_indirect_dma source(%dma_start3A_321 : memref<100000x128xf32, #tpu.memory_space<hbm>>) target(%dma_start3A_315 : memref<128x128xf32, #tpu.memory_space<vmem>>) offsets(%dma_start3A_318 : memref<128xi32, #tpu.memory_space<vmem>>) semaphore(%arg7 : memref<!tpu.dma_semaphore, #tpu.memory_space<semaphore_mem>>)
      } else {
      }
      %parallel_loop3A_238 = arith.constant 0 : i32
      %parallel_loop3A_239 = arith.constant 128 : i32
      %parallel_loop3A_240 = arith.constant 1 : i32
      scf.for %parallel_loop3A_307 = %parallel_loop3A_238 to %parallel_loop3A_239 step %parallel_loop3A_240  : i32 {
        %parallel_loop3A_308 = arith.constant 3 : i32
        %parallel_loop3A_309 = arith.index_cast %parallel_loop3A_308 : i32 to index
        %parallel_loop3A_310 = arith.index_cast %parallel_loop3A_307 : i32 to index
        %parallel_loop3A_311 = arith.constant 0 : index
        %parallel_loop3A_312 = tpu.vector_load %arg6[%parallel_loop3A_309, %parallel_loop3A_310, %parallel_loop3A_311] {strides = array<i32>} : memref<5x128x128xf32, #tpu.memory_space<vmem>>, vector<1x1x16xf32>,
        %parallel_loop3A_313 = vector.shape_cast %parallel_loop3A_312 : vector<1x1x16xf32> to vector<16xf32>
        %parallel_loop3A_314 = arith.constant 11.3137083 : f32
        %parallel_loop3A_315 = vector.broadcast %parallel_loop3A_314 : f32 to vector<16xf32>
        %parallel_loop3A_316 = arith.mulf %parallel_loop3A_313, %parallel_loop3A_315 : vector<16xf32>
        %parallel_loop3A_317 = arith.constant 3 : i32
        %parallel_loop3A_318 = arith.index_cast %parallel_loop3A_317 : i32 to index
        %parallel_loop3A_319 = arith.index_cast %parallel_loop3A_307 : i32 to index
        %parallel_loop3A_320 = arith.constant 0 : index
        %parallel_loop3A_321 = tpu.vector_load %arg6[%parallel_loop3A_318, %parallel_loop3A_319, %parallel_loop3A_320] {strides = array<i32>} : memref<5x128x128xf32, #tpu.memory_space<vmem>>, vector<1x1x16xf32>,
        %parallel_loop3A_322 = vector.shape_cast %parallel_loop3A_321 : vector<1x1x16xf32> to vector<16xf32>
        %parallel_loop3A_323 = vector.shape_cast %parallel_loop3A_316 : vector<16xf32> to vector<1x1x16xf32>
        tpu.vector_store %arg6[%parallel_loop3A_318, %parallel_loop3A_319, %parallel_loop3A_320], %parallel_loop3A_323 {strides = array<i32>} : memref<5x128x128xf32, #tpu.memory_space<vmem>>, vector<1x1x16xf32>,
        %parallel_loop3A_324 = arith.constant 3 : i32
        %parallel_loop3A_325 = arith.index_cast %parallel_loop3A_324 : i32 to index
        %parallel_loop3A_326 = arith.index_cast %parallel_loop3A_307 : i32 to index
        %parallel_loop3A_327 = arith.constant 16 : index
        %parallel_loop3A_328 = tpu.vector_load %arg6[%parallel_loop3A_325, %parallel_loop3A_326, %parallel_loop3A_327] {strides = array<i32>} : memref<5x128x128xf32, #tpu.memory_space<vmem>>, vector<1x1x16xf32>,
        %parallel_loop3A_329 = vector.shape_cast %parallel_loop3A_328 : vector<1x1x16xf32> to vector<16xf32>
        %parallel_loop3A_330 = arith.constant 11.3137083 : f32
        %parallel_loop3A_331 = vector.broadcast %parallel_loop3A_330 : f32 to vector<16xf32>
        %parallel_loop3A_332 = arith.mulf %parallel_loop3A_329, %parallel_loop3A_331 : vector<16xf32>
        %parallel_loop3A_333 = arith.constant 3 : i32
        %parallel_loop3A_334 = arith.index_cast %parallel_loop3A_333 : i32 to index
        %parallel_loop3A_335 = arith.index_cast %parallel_loop3A_307 : i32 to index
        %parallel_loop3A_336 = arith.constant 16 : index
        %parallel_loop3A_337 = tpu.vector_load %arg6[%parallel_loop3A_334, %parallel_loop3A_335, %parallel_loop3A_336] {strides = array<i32>} : memref<5x128x128xf32, #tpu.memory_space<vmem>>, vector<1x1x16xf32>,
        %parallel_loop3A_338 = vector.shape_cast %parallel_loop3A_337 : vector<1x1x16xf32> to vector<16xf32>
        %parallel_loop3A_339 = vector.shape_cast %parallel_loop3A_332 : vector<16xf32> to vector<1x1x16xf32>
        tpu.vector_store %arg6[%parallel_loop3A_334, %parallel_loop3A_335, %parallel_loop3A_336], %parallel_loop3A_339 {strides = array<i32>} : memref<5x128x128xf32, #tpu.memory_space<vmem>>, vector<1x1x16xf32>,
        %parallel_loop3A_340 = arith.constant 3 : i32
        %parallel_loop3A_341 = arith.index_cast %parallel_loop3A_340 : i32 to index
        %parallel_loop3A_342 = arith.index_cast %parallel_loop3A_307 : i32 to index
        %parallel_loop3A_343 = arith.constant 32 : index
        %parallel_loop3A_344 = tpu.vector_load %arg6[%parallel_loop3A_341, %parallel_loop3A_342, %parallel_loop3A_343] {strides = array<i32>} : memref<5x128x128xf32, #tpu.memory_space<vmem>>, vector<1x1x16xf32>,
        %parallel_loop3A_345 = vector.shape_cast %parallel_loop3A_344 : vector<1x1x16xf32> to vector<16xf32>
        %parallel_loop3A_346 = arith.constant 11.3137083 : f32
        %parallel_loop3A_347 = vector.broadcast %parallel_loop3A_346 : f32 to vector<16xf32>
        %parallel_loop3A_348 = arith.mulf %parallel_loop3A_345, %parallel_loop3A_347 : vector<16xf32>
        %parallel_loop3A_349 = arith.constant 3 : i32
        %parallel_loop3A_350 = arith.index_cast %parallel_loop3A_349 : i32 to index
        %parallel_loop3A_351 = arith.index_cast %parallel_loop3A_307 : i32 to index
        %parallel_loop3A_352 = arith.constant 32 : index
        %parallel_loop3A_353 = tpu.vector_load %arg6[%parallel_loop3A_350, %parallel_loop3A_351, %parallel_loop3A_352] {strides = array<i32>} : memref<5x128x128xf32, #tpu.memory_space<vmem>>, vector<1x1x16xf32>,
        %parallel_loop3A_354 = vector.shape_cast %parallel_loop3A_353 : vector<1x1x16xf32> to vector<16xf32>
        %parallel_loop3A_355 = vector.shape_cast %parallel_loop3A_348 : vector<16xf32> to vector<1x1x16xf32>
        tpu.vector_store %arg6[%parallel_loop3A_350, %parallel_loop3A_351, %parallel_loop3A_352], %parallel_loop3A_355 {strides = array<i32>} : memref<5x128x128xf32, #tpu.memory_space<vmem>>, vector<1x1x16xf32>,
        %parallel_loop3A_356 = arith.constant 3 : i32
        %parallel_loop3A_357 = arith.index_cast %parallel_loop3A_356 : i32 to index
        %parallel_loop3A_358 = arith.index_cast %parallel_loop3A_307 : i32 to index
        %parallel_loop3A_359 = arith.constant 48 : index
        %parallel_loop3A_360 = tpu.vector_load %arg6[%parallel_loop3A_357, %parallel_loop3A_358, %parallel_loop3A_359] {strides = array<i32>} : memref<5x128x128xf32, #tpu.memory_space<vmem>>, vector<1x1x16xf32>,
        %parallel_loop3A_361 = vector.shape_cast %parallel_loop3A_360 : vector<1x1x16xf32> to vector<16xf32>
        %parallel_loop3A_362 = arith.constant 11.3137083 : f32
        %parallel_loop3A_363 = vector.broadcast %parallel_loop3A_362 : f32 to vector<16xf32>
        %parallel_loop3A_364 = arith.mulf %parallel_loop3A_361, %parallel_loop3A_363 : vector<16xf32>
        %parallel_loop3A_365 = arith.constant 3 : i32
        %parallel_loop3A_366 = arith.index_cast %parallel_loop3A_365 : i32 to index
        %parallel_loop3A_367 = arith.index_cast %parallel_loop3A_307 : i32 to index
        %parallel_loop3A_368 = arith.constant 48 : index
        %parallel_loop3A_369 = tpu.vector_load %arg6[%parallel_loop3A_366, %parallel_loop3A_367, %parallel_loop3A_368] {strides = array<i32>} : memref<5x128x128xf32, #tpu.memory_space<vmem>>, vector<1x1x16xf32>,
        %parallel_loop3A_370 = vector.shape_cast %parallel_loop3A_369 : vector<1x1x16xf32> to vector<16xf32>
        %parallel_loop3A_371 = vector.shape_cast %parallel_loop3A_364 : vector<16xf32> to vector<1x1x16xf32>
        tpu.vector_store %arg6[%parallel_loop3A_366, %parallel_loop3A_367, %parallel_loop3A_368], %parallel_loop3A_371 {strides = array<i32>} : memref<5x128x128xf32, #tpu.memory_space<vmem>>, vector<1x1x16xf32>,
        %parallel_loop3A_372 = arith.constant 3 : i32
        %parallel_loop3A_373 = arith.index_cast %parallel_loop3A_372 : i32 to index
        %parallel_loop3A_374 = arith.index_cast %parallel_loop3A_307 : i32 to index
        %parallel_loop3A_375 = arith.constant 64 : index
        %parallel_loop3A_376 = tpu.vector_load %arg6[%parallel_loop3A_373, %parallel_loop3A_374, %parallel_loop3A_375] {strides = array<i32>} : memref<5x128x128xf32, #tpu.memory_space<vmem>>, vector<1x1x16xf32>,
        %parallel_loop3A_377 = vector.shape_cast %parallel_loop3A_376 : vector<1x1x16xf32> to vector<16xf32>
        %parallel_loop3A_378 = arith.constant 11.3137083 : f32
        %parallel_loop3A_379 = vector.broadcast %parallel_loop3A_378 : f32 to vector<16xf32>
        %parallel_loop3A_380 = arith.mulf %parallel_loop3A_377, %parallel_loop3A_379 : vector<16xf32>
        %parallel_loop3A_381 = arith.constant 3 : i32
        %parallel_loop3A_382 = arith.index_cast %parallel_loop3A_381 : i32 to index
        %parallel_loop3A_383 = arith.index_cast %parallel_loop3A_307 : i32 to index
        %parallel_loop3A_384 = arith.constant 64 : index
        %parallel_loop3A_385 = tpu.vector_load %arg6[%parallel_loop3A_382, %parallel_loop3A_383, %parallel_loop3A_384] {strides = array<i32>} : memref<5x128x128xf32, #tpu.memory_space<vmem>>, vector<1x1x16xf32>,
        %parallel_loop3A_386 = vector.shape_cast %parallel_loop3A_385 : vector<1x1x16xf32> to vector<16xf32>
        %parallel_loop3A_387 = vector.shape_cast %parallel_loop3A_380 : vector<16xf32> to vector<1x1x16xf32>
        tpu.vector_store %arg6[%parallel_loop3A_382, %parallel_loop3A_383, %parallel_loop3A_384], %parallel_loop3A_387 {strides = array<i32>} : memref<5x128x128xf32, #tpu.memory_space<vmem>>, vector<1x1x16xf32>,
        %parallel_loop3A_388 = arith.constant 3 : i32
        %parallel_loop3A_389 = arith.index_cast %parallel_loop3A_388 : i32 to index
        %parallel_loop3A_390 = arith.index_cast %parallel_loop3A_307 : i32 to index
        %parallel_loop3A_391 = arith.constant 80 : index
        %parallel_loop3A_392 = tpu.vector_load %arg6[%parallel_loop3A_389, %parallel_loop3A_390, %parallel_loop3A_391] {strides = array<i32>} : memref<5x128x128xf32, #tpu.memory_space<vmem>>, vector<1x1x16xf32>,
        %parallel_loop3A_393 = vector.shape_cast %parallel_loop3A_392 : vector<1x1x16xf32> to vector<16xf32>
        %parallel_loop3A_394 = arith.constant 11.3137083 : f32
        %parallel_loop3A_395 = vector.broadcast %parallel_loop3A_394 : f32 to vector<16xf32>
        %parallel_loop3A_396 = arith.mulf %parallel_loop3A_393, %parallel_loop3A_395 : vector<16xf32>
        %parallel_loop3A_397 = arith.constant 3 : i32
        %parallel_loop3A_398 = arith.index_cast %parallel_loop3A_397 : i32 to index
        %parallel_loop3A_399 = arith.index_cast %parallel_loop3A_307 : i32 to index
        %parallel_loop3A_400 = arith.constant 80 : index
        %parallel_loop3A_401 = tpu.vector_load %arg6[%parallel_loop3A_398, %parallel_loop3A_399, %parallel_loop3A_400] {strides = array<i32>} : memref<5x128x128xf32, #tpu.memory_space<vmem>>, vector<1x1x16xf32>,
        %parallel_loop3A_402 = vector.shape_cast %parallel_loop3A_401 : vector<1x1x16xf32> to vector<16xf32>
        %parallel_loop3A_403 = vector.shape_cast %parallel_loop3A_396 : vector<16xf32> to vector<1x1x16xf32>
        tpu.vector_store %arg6[%parallel_loop3A_398, %parallel_loop3A_399, %parallel_loop3A_400], %parallel_loop3A_403 {strides = array<i32>} : memref<5x128x128xf32, #tpu.memory_space<vmem>>, vector<1x1x16xf32>,
        %parallel_loop3A_404 = arith.constant 3 : i32
        %parallel_loop3A_405 = arith.index_cast %parallel_loop3A_404 : i32 to index
        %parallel_loop3A_406 = arith.index_cast %parallel_loop3A_307 : i32 to index
        %parallel_loop3A_407 = arith.constant 96 : index
        %parallel_loop3A_408 = tpu.vector_load %arg6[%parallel_loop3A_405, %parallel_loop3A_406, %parallel_loop3A_407] {strides = array<i32>} : memref<5x128x128xf32, #tpu.memory_space<vmem>>, vector<1x1x16xf32>,
        %parallel_loop3A_409 = vector.shape_cast %parallel_loop3A_408 : vector<1x1x16xf32> to vector<16xf32>
        %parallel_loop3A_410 = arith.constant 11.3137083 : f32
        %parallel_loop3A_411 = vector.broadcast %parallel_loop3A_410 : f32 to vector<16xf32>
        %parallel_loop3A_412 = arith.mulf %parallel_loop3A_409, %parallel_loop3A_411 : vector<16xf32>
        %parallel_loop3A_413 = arith.constant 3 : i32
        %parallel_loop3A_414 = arith.index_cast %parallel_loop3A_413 : i32 to index
        %parallel_loop3A_415 = arith.index_cast %parallel_loop3A_307 : i32 to index
        %parallel_loop3A_416 = arith.constant 96 : index
        %parallel_loop3A_417 = tpu.vector_load %arg6[%parallel_loop3A_414, %parallel_loop3A_415, %parallel_loop3A_416] {strides = array<i32>} : memref<5x128x128xf32, #tpu.memory_space<vmem>>, vector<1x1x16xf32>,
        %parallel_loop3A_418 = vector.shape_cast %parallel_loop3A_417 : vector<1x1x16xf32> to vector<16xf32>
        %parallel_loop3A_419 = vector.shape_cast %parallel_loop3A_412 : vector<16xf32> to vector<1x1x16xf32>
        tpu.vector_store %arg6[%parallel_loop3A_414, %parallel_loop3A_415, %parallel_loop3A_416], %parallel_loop3A_419 {strides = array<i32>} : memref<5x128x128xf32, #tpu.memory_space<vmem>>, vector<1x1x16xf32>,
        %parallel_loop3A_420 = arith.constant 3 : i32
        %parallel_loop3A_421 = arith.index_cast %parallel_loop3A_420 : i32 to index
        %parallel_loop3A_422 = arith.index_cast %parallel_loop3A_307 : i32 to index
        %parallel_loop3A_423 = arith.constant 112 : index
        %parallel_loop3A_424 = tpu.vector_load %arg6[%parallel_loop3A_421, %parallel_loop3A_422, %parallel_loop3A_423] {strides = array<i32>} : memref<5x128x128xf32, #tpu.memory_space<vmem>>, vector<1x1x16xf32>,
        %parallel_loop3A_425 = vector.shape_cast %parallel_loop3A_424 : vector<1x1x16xf32> to vector<16xf32>
        %parallel_loop3A_426 = arith.constant 11.3137083 : f32
        %parallel_loop3A_427 = vector.broadcast %parallel_loop3A_426 : f32 to vector<16xf32>
        %parallel_loop3A_428 = arith.mulf %parallel_loop3A_425, %parallel_loop3A_427 : vector<16xf32>
        %parallel_loop3A_429 = arith.constant 3 : i32
        %parallel_loop3A_430 = arith.index_cast %parallel_loop3A_429 : i32 to index
        %parallel_loop3A_431 = arith.index_cast %parallel_loop3A_307 : i32 to index
        %parallel_loop3A_432 = arith.constant 112 : index
        %parallel_loop3A_433 = tpu.vector_load %arg6[%parallel_loop3A_430, %parallel_loop3A_431, %parallel_loop3A_432] {strides = array<i32>} : memref<5x128x128xf32, #tpu.memory_space<vmem>>, vector<1x1x16xf32>,
        %parallel_loop3A_434 = vector.shape_cast %parallel_loop3A_433 : vector<1x1x16xf32> to vector<16xf32>
        %parallel_loop3A_435 = vector.shape_cast %parallel_loop3A_428 : vector<16xf32> to vector<1x1x16xf32>
        tpu.vector_store %arg6[%parallel_loop3A_430, %parallel_loop3A_431, %parallel_loop3A_432], %parallel_loop3A_435 {strides = array<i32>} : memref<5x128x128xf32, #tpu.memory_space<vmem>>, vector<1x1x16xf32>,
      } {sc.loop_unroll_factor = 4 : i64, sc.parallel_access}
      %mul3A_241 = arith.constant 4096 : i32
      %mul3A_242 = arith.muli %add3A_212, %mul3A_241 : i32
      %mul3A_243 = arith.constant 128 : i32
      %mul3A_244 = arith.muli %add3A, %mul3A_243 : i32
      %add3A_245 = arith.addi %mul3A_242, %mul3A_244 : i32
      %dma_start3A_246 = arith.constant 3 : i32
      %dma_start3A_247 = arith.constant 0 : i32
      %dma_start3A_248 = arith.constant 0 : i32
      %dma_start3A_249 = tpu.memref_slice %arg6[%dma_start3A_246, %dma_start3A_247, %dma_start3A_248] : memref<5x128x128xf32, #tpu.memory_space<vmem>> -> memref<1x128x128xf32, #tpu.memory_space<vmem>>
      %dma_start3A_250 = tpu.memref_squeeze %dma_start3A_249 : memref<1x128x128xf32, #tpu.memory_space<vmem>> -> memref<128x128xf32, #tpu.memory_space<vmem>>
      %dma_start3A_251 = arith.constant 0 : i32
      %dma_start3A_252 = tpu.memref_slice %arg4[%add3A_245, %dma_start3A_251] : memref<204800x128xf32, #tpu.memory_space<hbm>> -> memref<128x128xf32, #tpu.memory_space<hbm>>
      %dma_start3A_253 = arith.constant 0 : i32
      %dma_start3A_254 = tpu.memref_slice %arg4[%add3A_245, %dma_start3A_253] : memref<204800x128xf32, #tpu.memory_space<hbm>> -> memref<128x128xf32, #tpu.memory_space<hbm>>
      %dma_start3A_255 = arith.constant 0 : i32
      %dma_start3A_256 = arith.constant 0 : i32
      %dma_start3A_257 = tpu.memref_slice %arg6[%dma_start3A_246, %dma_start3A_255, %dma_start3A_256] : memref<5x128x128xf32, #tpu.memory_space<vmem>> -> memref<1x128x128xf32, #tpu.memory_space<vmem>>
      %dma_start3A_258 = tpu.memref_squeeze %dma_start3A_257 : memref<1x128x128xf32, #tpu.memory_space<vmem>> -> memref<128x128xf32, #tpu.memory_space<vmem>>
      tpu.enqueue_dma source(%dma_start3A_258 : memref<128x128xf32, #tpu.memory_space<vmem>>) target(%dma_start3A_254 : memref<128x128xf32, #tpu.memory_space<hbm>>) target_semaphore(%arg8 : memref<!tpu.dma_semaphore, #tpu.memory_space<semaphore_mem>>)
      %add3A_259 = arith.constant 4 : i32
      %add3A_260 = arith.addi %add3A_72, %add3A_259 : i32
      %dma_wait3A_261 = arith.constant 4 : i32
      %dma_wait3A_262 = arith.constant 0 : i32
      %dma_wait3A_263 = arith.constant 0 : i32
      %dma_wait3A_264 = tpu.memref_slice %arg6[%dma_wait3A_261, %dma_wait3A_262, %dma_wait3A_263] : memref<5x128x128xf32, #tpu.memory_space<vmem>> -> memref<1x128x128xf32, #tpu.memory_space<vmem>>
      %dma_wait3A_265 = tpu.memref_squeeze %dma_wait3A_264 : memref<1x128x128xf32, #tpu.memory_space<vmem>> -> memref<128x128xf32, #tpu.memory_space<vmem>>
      %dma_wait3A_266 = arith.constant 0 : i32
      %dma_wait3A_267 = tpu.memref_slice %arg5[%add3A_260, %dma_wait3A_266] : memref<50x128xi32, #tpu.memory_space<vmem>> -> memref<1x128xi32, #tpu.memory_space<vmem>>
      %dma_wait3A_268 = tpu.memref_squeeze %dma_wait3A_267 : memref<1x128xi32, #tpu.memory_space<vmem>> -> memref<128xi32, #tpu.memory_space<vmem>>
      %dma_wait3A_269 = arith.constant 0 : i32
      %dma_wait3A_270 = arith.constant 0 : i32
      %dma_wait3A_271 = tpu.memref_slice %arg3[%dma_wait3A_269, %dma_wait3A_270] : memref<100000x128xf32, #tpu.memory_space<hbm>> -> memref<100000x128xf32, #tpu.memory_space<hbm>>
      tpu.wait_indirect_dma semaphore(%arg7 : memref<!tpu.dma_semaphore, #tpu.memory_space<semaphore_mem>>) src(%dma_wait3A_271 : memref<100000x128xf32, #tpu.memory_space<hbm>>) dst(%dma_wait3A_265 : memref<128x128xf32, #tpu.memory_space<vmem>>)
      %gt3A_272 = arith.constant 0 : i32
      %gt3A_273 = arith.cmpi sgt, %add3A_260, %gt3A_272 : i32
      %convert_element_type3A_274 = arith.extui %gt3A_273 : i1 to i32
      %cond3A_275 = arith.constant 0 : i32
      %cond3A_276 = arith.cmpi ne, %convert_element_type3A_274, %cond3A_275 : i32
      scf.if %cond3A_276 {
        %sub3A_307 = arith.constant 1 : i32
        %sub3A_308 = arith.subi %add3A_260, %sub3A_307 : i32
        %mul3A_309 = arith.constant 4096 : i32
        %mul3A_310 = arith.muli %sub3A_308, %mul3A_309 : i32
        %mul3A_311 = arith.constant 128 : i32
        %mul3A_312 = arith.muli %add3A, %mul3A_311 : i32
        %add3A_313 = arith.addi %mul3A_310, %mul3A_312 : i32
        %dma_wait3A_314 = arith.constant 3 : i32
        %dma_wait3A_315 = arith.constant 0 : i32
        %dma_wait3A_316 = arith.constant 0 : i32
        %dma_wait3A_317 = tpu.memref_slice %arg6[%dma_wait3A_314, %dma_wait3A_315, %dma_wait3A_316] : memref<5x128x128xf32, #tpu.memory_space<vmem>> -> memref<1x128x128xf32, #tpu.memory_space<vmem>>
        %dma_wait3A_318 = tpu.memref_squeeze %dma_wait3A_317 : memref<1x128x128xf32, #tpu.memory_space<vmem>> -> memref<128x128xf32, #tpu.memory_space<vmem>>
        %dma_wait3A_319 = arith.constant 0 : i32
        %dma_wait3A_320 = tpu.memref_slice %arg4[%add3A_313, %dma_wait3A_319] : memref<204800x128xf32, #tpu.memory_space<hbm>> -> memref<128x128xf32, #tpu.memory_space<hbm>>
        %dma_wait3A_321 = arith.constant 0 : i32
        %dma_wait3A_322 = tpu.memref_slice %arg4[%add3A_313, %dma_wait3A_321] : memref<204800x128xf32, #tpu.memory_space<hbm>> -> memref<128x128xf32, #tpu.memory_space<hbm>>
        %dma_wait3A_323 = arith.constant 0 : i32
        %dma_wait3A_324 = arith.constant 0 : i32
        %dma_wait3A_325 = tpu.memref_slice %arg6[%dma_wait3A_314, %dma_wait3A_323, %dma_wait3A_324] : memref<5x128x128xf32, #tpu.memory_space<vmem>> -> memref<1x128x128xf32, #tpu.memory_space<vmem>>
        %dma_wait3A_326 = tpu.memref_squeeze %dma_wait3A_325 : memref<1x128x128xf32, #tpu.memory_space<vmem>> -> memref<128x128xf32, #tpu.memory_space<vmem>>
        tpu.wait_dma2 semaphore(%arg8 : memref<!tpu.dma_semaphore, #tpu.memory_space<semaphore_mem>>) src(%dma_wait3A_326 : memref<128x128xf32, #tpu.memory_space<vmem>>) dst(%dma_wait3A_322 : memref<128x128xf32, #tpu.memory_space<hbm>>)
      } else {
      }
      %add3A_277 = arith.constant 5 : i32
      %add3A_278 = arith.addi %add3A_260, %add3A_277 : i32
      %sub3A_279 = arith.constant 1 : i32
      %sub3A_280 = arith.subi %add3A_278, %sub3A_279 : i32
      %lt3A_281 = arith.constant 50 : i32
      %lt3A_282 = arith.cmpi slt, %sub3A_280, %lt3A_281 : i32
      %convert_element_type3A_283 = arith.extui %lt3A_282 : i1 to i32
      %cond3A_284 = arith.constant 0 : i32
      %cond3A_285 = arith.cmpi ne, %convert_element_type3A_283, %cond3A_284 : i32
      scf.if %cond3A_285 {
        %add3A_307 = arith.constant 5 : i32
        %add3A_308 = arith.addi %add3A_260, %add3A_307 : i32
        %sub3A_309 = arith.constant 1 : i32
        %sub3A_310 = arith.subi %add3A_308, %sub3A_309 : i32
        %dma_start3A_311 = arith.constant 3 : i32
        %dma_start3A_312 = arith.constant 0 : i32
        %dma_start3A_313 = arith.constant 0 : i32
        %dma_start3A_314 = tpu.memref_slice %arg6[%dma_start3A_311, %dma_start3A_312, %dma_start3A_313] : memref<5x128x128xf32, #tpu.memory_space<vmem>> -> memref<1x128x128xf32, #tpu.memory_space<vmem>>
        %dma_start3A_315 = tpu.memref_squeeze %dma_start3A_314 : memref<1x128x128xf32, #tpu.memory_space<vmem>> -> memref<128x128xf32, #tpu.memory_space<vmem>>
        %dma_start3A_316 = arith.constant 0 : i32
        %dma_start3A_317 = tpu.memref_slice %arg5[%sub3A_310, %dma_start3A_316] : memref<50x128xi32, #tpu.memory_space<vmem>> -> memref<1x128xi32, #tpu.memory_space<vmem>>
        %dma_start3A_318 = tpu.memref_squeeze %dma_start3A_317 : memref<1x128xi32, #tpu.memory_space<vmem>> -> memref<128xi32, #tpu.memory_space<vmem>>
        %dma_start3A_319 = arith.constant 0 : i32
        %dma_start3A_320 = arith.constant 0 : i32
        %dma_start3A_321 = tpu.memref_slice %arg3[%dma_start3A_319, %dma_start3A_320] : memref<100000x128xf32, #tpu.memory_space<hbm>> -> memref<100000x128xf32, #tpu.memory_space<hbm>>
        tpu.enqueue_indirect_dma source(%dma_start3A_321 : memref<100000x128xf32, #tpu.memory_space<hbm>>) target(%dma_start3A_315 : memref<128x128xf32, #tpu.memory_space<vmem>>) offsets(%dma_start3A_318 : memref<128xi32, #tpu.memory_space<vmem>>) semaphore(%arg7 : memref<!tpu.dma_semaphore, #tpu.memory_space<semaphore_mem>>)
      } else {
      }
      %parallel_loop3A_286 = arith.constant 0 : i32
      %parallel_loop3A_287 = arith.constant 128 : i32
      %parallel_loop3A_288 = arith.constant 1 : i32
      scf.for %parallel_loop3A_307 = %parallel_loop3A_286 to %parallel_loop3A_287 step %parallel_loop3A_288  : i32 {
        %parallel_loop3A_308 = arith.constant 4 : i32
        %parallel_loop3A_309 = arith.index_cast %parallel_loop3A_308 : i32 to index
        %parallel_loop3A_310 = arith.index_cast %parallel_loop3A_307 : i32 to index
        %parallel_loop3A_311 = arith.constant 0 : index
        %parallel_loop3A_312 = tpu.vector_load %arg6[%parallel_loop3A_309, %parallel_loop3A_310, %parallel_loop3A_311] {strides = array<i32>} : memref<5x128x128xf32, #tpu.memory_space<vmem>>, vector<1x1x16xf32>,
        %parallel_loop3A_313 = vector.shape_cast %parallel_loop3A_312 : vector<1x1x16xf32> to vector<16xf32>
        %parallel_loop3A_314 = arith.constant 11.3137083 : f32
        %parallel_loop3A_315 = vector.broadcast %parallel_loop3A_314 : f32 to vector<16xf32>
        %parallel_loop3A_316 = arith.mulf %parallel_loop3A_313, %parallel_loop3A_315 : vector<16xf32>
        %parallel_loop3A_317 = arith.constant 4 : i32
        %parallel_loop3A_318 = arith.index_cast %parallel_loop3A_317 : i32 to index
        %parallel_loop3A_319 = arith.index_cast %parallel_loop3A_307 : i32 to index
        %parallel_loop3A_320 = arith.constant 0 : index
        %parallel_loop3A_321 = tpu.vector_load %arg6[%parallel_loop3A_318, %parallel_loop3A_319, %parallel_loop3A_320] {strides = array<i32>} : memref<5x128x128xf32, #tpu.memory_space<vmem>>, vector<1x1x16xf32>,
        %parallel_loop3A_322 = vector.shape_cast %parallel_loop3A_321 : vector<1x1x16xf32> to vector<16xf32>
        %parallel_loop3A_323 = vector.shape_cast %parallel_loop3A_316 : vector<16xf32> to vector<1x1x16xf32>
        tpu.vector_store %arg6[%parallel_loop3A_318, %parallel_loop3A_319, %parallel_loop3A_320], %parallel_loop3A_323 {strides = array<i32>} : memref<5x128x128xf32, #tpu.memory_space<vmem>>, vector<1x1x16xf32>,
        %parallel_loop3A_324 = arith.constant 4 : i32
        %parallel_loop3A_325 = arith.index_cast %parallel_loop3A_324 : i32 to index
        %parallel_loop3A_326 = arith.index_cast %parallel_loop3A_307 : i32 to index
        %parallel_loop3A_327 = arith.constant 16 : index
        %parallel_loop3A_328 = tpu.vector_load %arg6[%parallel_loop3A_325, %parallel_loop3A_326, %parallel_loop3A_327] {strides = array<i32>} : memref<5x128x128xf32, #tpu.memory_space<vmem>>, vector<1x1x16xf32>,
        %parallel_loop3A_329 = vector.shape_cast %parallel_loop3A_328 : vector<1x1x16xf32> to vector<16xf32>
        %parallel_loop3A_330 = arith.constant 11.3137083 : f32
        %parallel_loop3A_331 = vector.broadcast %parallel_loop3A_330 : f32 to vector<16xf32>
        %parallel_loop3A_332 = arith.mulf %parallel_loop3A_329, %parallel_loop3A_331 : vector<16xf32>
        %parallel_loop3A_333 = arith.constant 4 : i32
        %parallel_loop3A_334 = arith.index_cast %parallel_loop3A_333 : i32 to index
        %parallel_loop3A_335 = arith.index_cast %parallel_loop3A_307 : i32 to index
        %parallel_loop3A_336 = arith.constant 16 : index
        %parallel_loop3A_337 = tpu.vector_load %arg6[%parallel_loop3A_334, %parallel_loop3A_335, %parallel_loop3A_336] {strides = array<i32>} : memref<5x128x128xf32, #tpu.memory_space<vmem>>, vector<1x1x16xf32>,
        %parallel_loop3A_338 = vector.shape_cast %parallel_loop3A_337 : vector<1x1x16xf32> to vector<16xf32>
        %parallel_loop3A_339 = vector.shape_cast %parallel_loop3A_332 : vector<16xf32> to vector<1x1x16xf32>
        tpu.vector_store %arg6[%parallel_loop3A_334, %parallel_loop3A_335, %parallel_loop3A_336], %parallel_loop3A_339 {strides = array<i32>} : memref<5x128x128xf32, #tpu.memory_space<vmem>>, vector<1x1x16xf32>,
        %parallel_loop3A_340 = arith.constant 4 : i32
        %parallel_loop3A_341 = arith.index_cast %parallel_loop3A_340 : i32 to index
        %parallel_loop3A_342 = arith.index_cast %parallel_loop3A_307 : i32 to index
        %parallel_loop3A_343 = arith.constant 32 : index
        %parallel_loop3A_344 = tpu.vector_load %arg6[%parallel_loop3A_341, %parallel_loop3A_342, %parallel_loop3A_343] {strides = array<i32>} : memref<5x128x128xf32, #tpu.memory_space<vmem>>, vector<1x1x16xf32>,
        %parallel_loop3A_345 = vector.shape_cast %parallel_loop3A_344 : vector<1x1x16xf32> to vector<16xf32>
        %parallel_loop3A_346 = arith.constant 11.3137083 : f32
        %parallel_loop3A_347 = vector.broadcast %parallel_loop3A_346 : f32 to vector<16xf32>
        %parallel_loop3A_348 = arith.mulf %parallel_loop3A_345, %parallel_loop3A_347 : vector<16xf32>
        %parallel_loop3A_349 = arith.constant 4 : i32
        %parallel_loop3A_350 = arith.index_cast %parallel_loop3A_349 : i32 to index
        %parallel_loop3A_351 = arith.index_cast %parallel_loop3A_307 : i32 to index
        %parallel_loop3A_352 = arith.constant 32 : index
        %parallel_loop3A_353 = tpu.vector_load %arg6[%parallel_loop3A_350, %parallel_loop3A_351, %parallel_loop3A_352] {strides = array<i32>} : memref<5x128x128xf32, #tpu.memory_space<vmem>>, vector<1x1x16xf32>,
        %parallel_loop3A_354 = vector.shape_cast %parallel_loop3A_353 : vector<1x1x16xf32> to vector<16xf32>
        %parallel_loop3A_355 = vector.shape_cast %parallel_loop3A_348 : vector<16xf32> to vector<1x1x16xf32>
        tpu.vector_store %arg6[%parallel_loop3A_350, %parallel_loop3A_351, %parallel_loop3A_352], %parallel_loop3A_355 {strides = array<i32>} : memref<5x128x128xf32, #tpu.memory_space<vmem>>, vector<1x1x16xf32>,
        %parallel_loop3A_356 = arith.constant 4 : i32
        %parallel_loop3A_357 = arith.index_cast %parallel_loop3A_356 : i32 to index
        %parallel_loop3A_358 = arith.index_cast %parallel_loop3A_307 : i32 to index
        %parallel_loop3A_359 = arith.constant 48 : index
        %parallel_loop3A_360 = tpu.vector_load %arg6[%parallel_loop3A_357, %parallel_loop3A_358, %parallel_loop3A_359] {strides = array<i32>} : memref<5x128x128xf32, #tpu.memory_space<vmem>>, vector<1x1x16xf32>,
        %parallel_loop3A_361 = vector.shape_cast %parallel_loop3A_360 : vector<1x1x16xf32> to vector<16xf32>
        %parallel_loop3A_362 = arith.constant 11.3137083 : f32
        %parallel_loop3A_363 = vector.broadcast %parallel_loop3A_362 : f32 to vector<16xf32>
        %parallel_loop3A_364 = arith.mulf %parallel_loop3A_361, %parallel_loop3A_363 : vector<16xf32>
        %parallel_loop3A_365 = arith.constant 4 : i32
        %parallel_loop3A_366 = arith.index_cast %parallel_loop3A_365 : i32 to index
        %parallel_loop3A_367 = arith.index_cast %parallel_loop3A_307 : i32 to index
        %parallel_loop3A_368 = arith.constant 48 : index
        %parallel_loop3A_369 = tpu.vector_load %arg6[%parallel_loop3A_366, %parallel_loop3A_367, %parallel_loop3A_368] {strides = array<i32>} : memref<5x128x128xf32, #tpu.memory_space<vmem>>, vector<1x1x16xf32>,
        %parallel_loop3A_370 = vector.shape_cast %parallel_loop3A_369 : vector<1x1x16xf32> to vector<16xf32>
        %parallel_loop3A_371 = vector.shape_cast %parallel_loop3A_364 : vector<16xf32> to vector<1x1x16xf32>
        tpu.vector_store %arg6[%parallel_loop3A_366, %parallel_loop3A_367, %parallel_loop3A_368], %parallel_loop3A_371 {strides = array<i32>} : memref<5x128x128xf32, #tpu.memory_space<vmem>>, vector<1x1x16xf32>,
        %parallel_loop3A_372 = arith.constant 4 : i32
        %parallel_loop3A_373 = arith.index_cast %parallel_loop3A_372 : i32 to index
        %parallel_loop3A_374 = arith.index_cast %parallel_loop3A_307 : i32 to index
        %parallel_loop3A_375 = arith.constant 64 : index
        %parallel_loop3A_376 = tpu.vector_load %arg6[%parallel_loop3A_373, %parallel_loop3A_374, %parallel_loop3A_375] {strides = array<i32>} : memref<5x128x128xf32, #tpu.memory_space<vmem>>, vector<1x1x16xf32>,
        %parallel_loop3A_377 = vector.shape_cast %parallel_loop3A_376 : vector<1x1x16xf32> to vector<16xf32>
        %parallel_loop3A_378 = arith.constant 11.3137083 : f32
        %parallel_loop3A_379 = vector.broadcast %parallel_loop3A_378 : f32 to vector<16xf32>
        %parallel_loop3A_380 = arith.mulf %parallel_loop3A_377, %parallel_loop3A_379 : vector<16xf32>
        %parallel_loop3A_381 = arith.constant 4 : i32
        %parallel_loop3A_382 = arith.index_cast %parallel_loop3A_381 : i32 to index
        %parallel_loop3A_383 = arith.index_cast %parallel_loop3A_307 : i32 to index
        %parallel_loop3A_384 = arith.constant 64 : index
        %parallel_loop3A_385 = tpu.vector_load %arg6[%parallel_loop3A_382, %parallel_loop3A_383, %parallel_loop3A_384] {strides = array<i32>} : memref<5x128x128xf32, #tpu.memory_space<vmem>>, vector<1x1x16xf32>,
        %parallel_loop3A_386 = vector.shape_cast %parallel_loop3A_385 : vector<1x1x16xf32> to vector<16xf32>
        %parallel_loop3A_387 = vector.shape_cast %parallel_loop3A_380 : vector<16xf32> to vector<1x1x16xf32>
        tpu.vector_store %arg6[%parallel_loop3A_382, %parallel_loop3A_383, %parallel_loop3A_384], %parallel_loop3A_387 {strides = array<i32>} : memref<5x128x128xf32, #tpu.memory_space<vmem>>, vector<1x1x16xf32>,
        %parallel_loop3A_388 = arith.constant 4 : i32
        %parallel_loop3A_389 = arith.index_cast %parallel_loop3A_388 : i32 to index
        %parallel_loop3A_390 = arith.index_cast %parallel_loop3A_307 : i32 to index
        %parallel_loop3A_391 = arith.constant 80 : index
        %parallel_loop3A_392 = tpu.vector_load %arg6[%parallel_loop3A_389, %parallel_loop3A_390, %parallel_loop3A_391] {strides = array<i32>} : memref<5x128x128xf32, #tpu.memory_space<vmem>>, vector<1x1x16xf32>,
        %parallel_loop3A_393 = vector.shape_cast %parallel_loop3A_392 : vector<1x1x16xf32> to vector<16xf32>
        %parallel_loop3A_394 = arith.constant 11.3137083 : f32
        %parallel_loop3A_395 = vector.broadcast %parallel_loop3A_394 : f32 to vector<16xf32>
        %parallel_loop3A_396 = arith.mulf %parallel_loop3A_393, %parallel_loop3A_395 : vector<16xf32>
        %parallel_loop3A_397 = arith.constant 4 : i32
        %parallel_loop3A_398 = arith.index_cast %parallel_loop3A_397 : i32 to index
        %parallel_loop3A_399 = arith.index_cast %parallel_loop3A_307 : i32 to index
        %parallel_loop3A_400 = arith.constant 80 : index
        %parallel_loop3A_401 = tpu.vector_load %arg6[%parallel_loop3A_398, %parallel_loop3A_399, %parallel_loop3A_400] {strides = array<i32>} : memref<5x128x128xf32, #tpu.memory_space<vmem>>, vector<1x1x16xf32>,
        %parallel_loop3A_402 = vector.shape_cast %parallel_loop3A_401 : vector<1x1x16xf32> to vector<16xf32>
        %parallel_loop3A_403 = vector.shape_cast %parallel_loop3A_396 : vector<16xf32> to vector<1x1x16xf32>
        tpu.vector_store %arg6[%parallel_loop3A_398, %parallel_loop3A_399, %parallel_loop3A_400], %parallel_loop3A_403 {strides = array<i32>} : memref<5x128x128xf32, #tpu.memory_space<vmem>>, vector<1x1x16xf32>,
        %parallel_loop3A_404 = arith.constant 4 : i32
        %parallel_loop3A_405 = arith.index_cast %parallel_loop3A_404 : i32 to index
        %parallel_loop3A_406 = arith.index_cast %parallel_loop3A_307 : i32 to index
        %parallel_loop3A_407 = arith.constant 96 : index
        %parallel_loop3A_408 = tpu.vector_load %arg6[%parallel_loop3A_405, %parallel_loop3A_406, %parallel_loop3A_407] {strides = array<i32>} : memref<5x128x128xf32, #tpu.memory_space<vmem>>, vector<1x1x16xf32>,
        %parallel_loop3A_409 = vector.shape_cast %parallel_loop3A_408 : vector<1x1x16xf32> to vector<16xf32>
        %parallel_loop3A_410 = arith.constant 11.3137083 : f32
        %parallel_loop3A_411 = vector.broadcast %parallel_loop3A_410 : f32 to vector<16xf32>
        %parallel_loop3A_412 = arith.mulf %parallel_loop3A_409, %parallel_loop3A_411 : vector<16xf32>
        %parallel_loop3A_413 = arith.constant 4 : i32
        %parallel_loop3A_414 = arith.index_cast %parallel_loop3A_413 : i32 to index
        %parallel_loop3A_415 = arith.index_cast %parallel_loop3A_307 : i32 to index
        %parallel_loop3A_416 = arith.constant 96 : index
        %parallel_loop3A_417 = tpu.vector_load %arg6[%parallel_loop3A_414, %parallel_loop3A_415, %parallel_loop3A_416] {strides = array<i32>} : memref<5x128x128xf32, #tpu.memory_space<vmem>>, vector<1x1x16xf32>,
        %parallel_loop3A_418 = vector.shape_cast %parallel_loop3A_417 : vector<1x1x16xf32> to vector<16xf32>
        %parallel_loop3A_419 = vector.shape_cast %parallel_loop3A_412 : vector<16xf32> to vector<1x1x16xf32>
        tpu.vector_store %arg6[%parallel_loop3A_414, %parallel_loop3A_415, %parallel_loop3A_416], %parallel_loop3A_419 {strides = array<i32>} : memref<5x128x128xf32, #tpu.memory_space<vmem>>, vector<1x1x16xf32>,
        %parallel_loop3A_420 = arith.constant 4 : i32
        %parallel_loop3A_421 = arith.index_cast %parallel_loop3A_420 : i32 to index
        %parallel_loop3A_422 = arith.index_cast %parallel_loop3A_307 : i32 to index
        %parallel_loop3A_423 = arith.constant 112 : index
        %parallel_loop3A_424 = tpu.vector_load %arg6[%parallel_loop3A_421, %parallel_loop3A_422, %parallel_loop3A_423] {strides = array<i32>} : memref<5x128x128xf32, #tpu.memory_space<vmem>>, vector<1x1x16xf32>,
        %parallel_loop3A_425 = vector.shape_cast %parallel_loop3A_424 : vector<1x1x16xf32> to vector<16xf32>
        %parallel_loop3A_426 = arith.constant 11.3137083 : f32
        %parallel_loop3A_427 = vector.broadcast %parallel_loop3A_426 : f32 to vector<16xf32>
        %parallel_loop3A_428 = arith.mulf %parallel_loop3A_425, %parallel_loop3A_427 : vector<16xf32>
        %parallel_loop3A_429 = arith.constant 4 : i32
        %parallel_loop3A_430 = arith.index_cast %parallel_loop3A_429 : i32 to index
        %parallel_loop3A_431 = arith.index_cast %parallel_loop3A_307 : i32 to index
        %parallel_loop3A_432 = arith.constant 112 : index
        %parallel_loop3A_433 = tpu.vector_load %arg6[%parallel_loop3A_430, %parallel_loop3A_431, %parallel_loop3A_432] {strides = array<i32>} : memref<5x128x128xf32, #tpu.memory_space<vmem>>, vector<1x1x16xf32>,
        %parallel_loop3A_434 = vector.shape_cast %parallel_loop3A_433 : vector<1x1x16xf32> to vector<16xf32>
        %parallel_loop3A_435 = vector.shape_cast %parallel_loop3A_428 : vector<16xf32> to vector<1x1x16xf32>
        tpu.vector_store %arg6[%parallel_loop3A_430, %parallel_loop3A_431, %parallel_loop3A_432], %parallel_loop3A_435 {strides = array<i32>} : memref<5x128x128xf32, #tpu.memory_space<vmem>>, vector<1x1x16xf32>,
      } {sc.loop_unroll_factor = 4 : i64, sc.parallel_access}
      %mul3A_289 = arith.constant 4096 : i32
      %mul3A_290 = arith.muli %add3A_260, %mul3A_289 : i32
      %mul3A_291 = arith.constant 128 : i32
      %mul3A_292 = arith.muli %add3A, %mul3A_291 : i32
      %add3A_293 = arith.addi %mul3A_290, %mul3A_292 : i32
      %dma_start3A_294 = arith.constant 4 : i32
      %dma_start3A_295 = arith.constant 0 : i32
      %dma_start3A_296 = arith.constant 0 : i32
      %dma_start3A_297 = tpu.memref_slice %arg6[%dma_start3A_294, %dma_start3A_295, %dma_start3A_296] : memref<5x128x128xf32, #tpu.memory_space<vmem>> -> memref<1x128x128xf32, #tpu.memory_space<vmem>>
      %dma_start3A_298 = tpu.memref_squeeze %dma_start3A_297 : memref<1x128x128xf32, #tpu.memory_space<vmem>> -> memref<128x128xf32, #tpu.memory_space<vmem>>
      %dma_start3A_299 = arith.constant 0 : i32
      %dma_start3A_300 = tpu.memref_slice %arg4[%add3A_293, %dma_start3A_299] : memref<204800x128xf32, #tpu.memory_space<hbm>> -> memref<128x128xf32, #tpu.memory_space<hbm>>
      %dma_start3A_301 = arith.constant 0 : i32
      %dma_start3A_302 = tpu.memref_slice %arg4[%add3A_293, %dma_start3A_301] : memref<204800x128xf32, #tpu.memory_space<hbm>> -> memref<128x128xf32, #tpu.memory_space<hbm>>
      %dma_start3A_303 = arith.constant 0 : i32
      %dma_start3A_304 = arith.constant 0 : i32
      %dma_start3A_305 = tpu.memref_slice %arg6[%dma_start3A_294, %dma_start3A_303, %dma_start3A_304] : memref<5x128x128xf32, #tpu.memory_space<vmem>> -> memref<1x128x128xf32, #tpu.memory_space<vmem>>
      %dma_start3A_306 = tpu.memref_squeeze %dma_start3A_305 : memref<1x128x128xf32, #tpu.memory_space<vmem>> -> memref<128x128xf32, #tpu.memory_space<vmem>>
      tpu.enqueue_dma source(%dma_start3A_306 : memref<128x128xf32, #tpu.memory_space<vmem>>) target(%dma_start3A_302 : memref<128x128xf32, #tpu.memory_space<hbm>>) target_semaphore(%arg8 : memref<!tpu.dma_semaphore, #tpu.memory_space<semaphore_mem>>)
    }
    %scan3A_51 = arith.constant 10 : i32
    %mul3A_52 = arith.constant 128 : i32
    %mul3A_53 = arith.muli %add3A, %mul3A_52 : i32
    %add3A_54 = arith.constant 200704 : i32
    %add3A_55 = arith.addi %add3A_54, %mul3A_53 : i32
    %dma_wait3A = arith.constant 4 : i32
    %dma_wait3A_56 = arith.constant 0 : i32
    %dma_wait3A_57 = arith.constant 0 : i32
    %dma_wait3A_58 = tpu.memref_slice %arg6[%dma_wait3A, %dma_wait3A_56, %dma_wait3A_57] : memref<5x128x128xf32, #tpu.memory_space<vmem>> -> memref<1x128x128xf32, #tpu.memory_space<vmem>>
    %dma_wait3A_59 = tpu.memref_squeeze %dma_wait3A_58 : memref<1x128x128xf32, #tpu.memory_space<vmem>> -> memref<128x128xf32, #tpu.memory_space<vmem>>
    %dma_wait3A_60 = arith.constant 0 : i32
    %dma_wait3A_61 = tpu.memref_slice %arg4[%add3A_55, %dma_wait3A_60] : memref<204800x128xf32, #tpu.memory_space<hbm>> -> memref<128x128xf32, #tpu.memory_space<hbm>>
    %dma_wait3A_62 = arith.constant 0 : i32
    %dma_wait3A_63 = tpu.memref_slice %arg4[%add3A_55, %dma_wait3A_62] : memref<204800x128xf32, #tpu.memory_space<hbm>> -> memref<128x128xf32, #tpu.memory_space<hbm>>
    %dma_wait3A_64 = arith.constant 0 : i32
    %dma_wait3A_65 = arith.constant 0 : i32
    %dma_wait3A_66 = tpu.memref_slice %arg6[%dma_wait3A, %dma_wait3A_64, %dma_wait3A_65] : memref<5x128x128xf32, #tpu.memory_space<vmem>> -> memref<1x128x128xf32, #tpu.memory_space<vmem>>
    %dma_wait3A_67 = tpu.memref_squeeze %dma_wait3A_66 : memref<1x128x128xf32, #tpu.memory_space<vmem>> -> memref<128x128xf32, #tpu.memory_space<vmem>>
    tpu.wait_dma2 semaphore(%arg8 : memref<!tpu.dma_semaphore, #tpu.memory_space<semaphore_mem>>) src(%dma_wait3A_67 : memref<128x128xf32, #tpu.memory_space<vmem>>) dst(%dma_wait3A_63 : memref<128x128xf32, #tpu.memory_space<hbm>>)
    return
  }
}

</mosaic_0001>

<sc_bundles>
// kernel: kernel.3.cloned.1.call-start
scs
__scs_entry_jumppad:
0x0: {  	(pc) =	sbr.rel $0x88, $3  }
0x1: {  	(tag) =	ssettag $0x0;
	lr =	simm.s32 $0x1  }
0x2: {  	[smem:$0x3F9F] =	sst lr;
	_ =	strace $0xD0000000  }
0x3: {  	_ = 	snop  }
0x4: {  	_ = 	snop  }
0x5: {  	_ = 	snop  }
0x6: {  	_ = 	snop  }
0x7: {  	_ = 	snop  }
__scs_overlays_trampoline_lowered:
0x8: {  	[smem:$0x3FAE] =	sst s0  }
0x9: {  	[smem:$0x3FAF] =	sst s1  }
0xa: {  	[smem:$0x3FB0] =	sst s2  }
0xb: {  	[smem:$0x3FB1] =	sst s3  }
0xc: {  	[smem:$0x3FB2] =	sst s4  }
0xd: {  	[smem:$0x3FB3] =	sst s5  }
0xe: {  	[smem:$0x3FB4] =	sst s6  }
0xf: {  	[smem:$0x3FB5] =	sst s7  }
0x10: {  	[smem:$0x3FB6] =	sst s8  }
0x11: {  	[smem:$0x3FB7] =	sst s9;
	s0 =	simm.s32 @!p0 $0x0  }
0x12: {  	s1 =	sld [smem:$0x3F9D];
	s0 =	simm.s32 @p0 $0x1  }
0x13: {  	[smem:$0x3FB8] =	sst s0;
	s0 =	simm.s32 @!p1 $0x0  }
0x14: {  	s2 =	sld [smem:$0x3F9C];
	s0 =	simm.s32 @p1 $0x1  }
0x15: {  	[smem:$0x3FB9] =	sst s0;
	s0 =	simm.s32 @!p2 $0x0  }
0x16: {  	s3 =	sld [smem:$0x3FDB];
	s0 =	simm.s32 @p2 $0x1  }
0x17: {  	s4 =	simm.s32 $0x1BF5;
	[smem:$0x3FBB] =	sst s0  }
0x18: {  	s0 =	sld [smem:$0x3F9E];
	_ =	swait.ge [sflag:s4], $0x0  }
0x19: {  	s7 =	sld [smem:$0x3F9F]  }
0x1a: {  	s8 =	sadd.s32 $0xFFFFE003, lr  }
0x1b: {  	s9 =	sadd.s32 $0xFFFFFEF7, lr;
	s5 =	simm.s32 $0xFFFFFFFF;
	p2 =	slt.u32 s8, $0xFFFFF086  }
0x1c: {  	p1 =	slt.u32 s9, $0xF7A;
	s5 =	simm.s32 @!p2 $0x0  }
0x1d: {  	s5 =	simm.s32 @p1 $0x1;
	p0 =	seq.s32 s7, s2  }
0x1e: {  	s7 =	smul.u32 @!p0 $0xF7A, s2;
	p2 =	seq.s32 @!p0 s5, $0x0  }
0x1f: {  	s9 =	smul.u32 $0xF7A, s1;
	s8 =	simm.s32 @!p0 $0x1BF5;
	p2 =	por !p2, p0  }
0x20: {  	[sflag:s8] =	ssyncset.s32 @!p0 $0xFFFFF086;
	s6 =	sadd.s32 @!p0 s3, s7;
	s7 =	simm.s32 @!p0 $0x108  }
0x21: {  	s3 =	sadd.s32 s3, s9;
	s6 =	sadd.s32 @!p0 $0x88, s6;
	s7 =	simm.s32 @p2 $0x1082  }
0x22: {  	[simem:s7], [sflag:s8] =	dma.local @!p0 [hbm:s6], $0xF7A  }
0x23: {  	s9 =	sor.u32 $0xD0000000, s2;
	s6 =	simm.s32 $0x108;
	_ =	swait.ge @!p0 [sflag:s8], $0x0  }
0x24: {  	s3 =	sadd.s32 $0x88, s3;
	s6 =	simm.s32 @!p1 $0x1082;
	[sflag:s4] =	ssyncset.s32 $0xFFFFF086  }
0x25: {  	[simem:s6], [sflag:s4] =	dma.local [hbm:s3], $0xF7A  }
0x26: {  	[smem:$0x3F9F] =	sst s1;
	(tag) =	ssettag s2;
	_ =	strace s9  }
0x27: {  	s1 =	sld [smem:$0x3FAF]  }
0x28: {  	s2 =	sld [smem:$0x3FB0]  }
0x29: {  	s4 =	sld [smem:$0x3FB2]  }
0x2a: {  	p0 =	seq.s32 s5, $0x0;
	s5 =	sld [smem:$0x3FB3]  }
0x2b: {  	s6 =	sld [smem:$0x3FB4]  }
0x2c: {  	s7 =	sld [smem:$0x3FB5]  }
0x2d: {  	s3 =	simm.s32 $0x108;
	s8 =	sld [smem:$0x3FB6]  }
0x2e: {  	s3 =	simm.s32 @!p0 $0x1082;
	s9 =	sld [smem:$0x3FB7]  }
0x2f: {  	lr =	sadd.s32 s0, s3;
	s0 =	sld [smem:$0x3FAE]  }
0x30: {  	s3 =	sld [smem:$0x3FB1]  }
0x31: {  	[smem:$0x3FBA] =	sst s10  }
0x32: {  	s10 =	sld [smem:$0x3FB8];
	_ =	sdelay $0x3  }
0x33: {  	p0 =	seq.s32 s10, $0x1;
	s10 =	sld [smem:$0x3FBA];
	_ =	sdelay $0x3  }
0x34: {  	[smem:$0x3FBA] =	sst s10  }
0x35: {  	s10 =	sld [smem:$0x3FB9];
	_ =	sdelay $0x3  }
0x36: {  	p1 =	seq.s32 s10, $0x1;
	s10 =	sld [smem:$0x3FBA];
	_ =	sdelay $0x3  }
0x37: {  	[smem:$0x3FBA] =	sst s10  }
0x38: {  	s10 =	sld [smem:$0x3FBB]  }
0x39: {  	_ = 	snop;
	(pc) =	sbr.ind lr, $3  }
0x3a: {  	_ = 	snop  }
0x3b: {  	_ = 	snop  }
0x3c: {  	p2 =	seq.s32 s10, $0x1;
	s10 =	sld [smem:$0x3FBA]  }
0x3d: {  	_ =	shalt  }
0x3e: {  	_ =	shalt  }
0x3f: {  	_ =	shalt  }
0x40: {  	_ =	shalt  }
0x41: {  	_ =	shalt  }
0x42: {  	_ =	shalt  }
0x43: {  	_ =	shalt  }
0x44: {  	_ =	shalt  }
0x45: {  	_ =	shalt  }
0x46: {  	_ =	shalt  }
0x47: {  	_ =	shalt  }
0x48: {  	_ =	shalt  }
0x49: {  	_ =	shalt  }
0x4a: {  	_ =	shalt  }
0x4b: {  	_ =	shalt  }
0x4c: {  	_ =	shalt  }
0x4d: {  	_ =	shalt  }
0x4e: {  	_ =	shalt  }
0x4f: {  	_ =	shalt  }
0x50: {  	_ =	shalt  }
0x51: {  	_ =	shalt  }
0x52: {  	_ =	shalt  }
0x53: {  	_ =	shalt  }
0x54: {  	_ =	shalt  }
0x55: {  	_ =	shalt  }
0x56: {  	_ =	shalt  }
0x57: {  	_ =	shalt  }
0x58: {  	_ =	shalt  }
0x59: {  	_ =	shalt  }
0x5a: {  	_ =	shalt  }
0x5b: {  	_ =	shalt  }
0x5c: {  	_ =	shalt  }
0x5d: {  	_ =	shalt  }
0x5e: {  	_ =	shalt  }
0x5f: {  	_ =	shalt  }
0x60: {  	_ =	shalt  }
0x61: {  	_ =	shalt  }
0x62: {  	_ =	shalt  }
0x63: {  	_ =	shalt  }
0x64: {  	_ =	shalt  }
0x65: {  	_ =	shalt  }
0x66: {  	_ =	shalt  }
0x67: {  	_ =	shalt  }
0x68: {  	_ =	shalt  }
0x69: {  	_ =	shalt  }
0x6a: {  	_ =	shalt  }
0x6b: {  	_ =	shalt  }
0x6c: {  	_ =	shalt  }
0x6d: {  	_ =	shalt  }
0x6e: {  	_ =	shalt  }
0x6f: {  	_ =	shalt  }
0x70: {  	_ =	shalt  }
0x71: {  	_ =	shalt  }
0x72: {  	_ =	shalt  }
0x73: {  	_ =	shalt  }
0x74: {  	_ =	shalt  }
0x75: {  	_ =	shalt  }
0x76: {  	_ =	shalt  }
0x77: {  	_ =	shalt  }
0x78: {  	_ =	shalt  }
0x79: {  	_ =	shalt  }
0x7a: {  	_ =	shalt  }
0x7b: {  	_ =	shalt  }
0x7c: {  	_ =	shalt  }
0x7d: {  	_ =	shalt  }
0x7e: {  	_ =	shalt  }
0x7f: {  	_ =	shalt  }
0x80: {  	_ =	shalt  }
0x81: {  	_ =	shalt  }
0x82: {  	_ =	shalt  }
0x83: {  	_ =	shalt  }
0x84: {  	_ =	shalt  }
0x85: {  	_ =	shalt  }
0x86: {  	_ =	shalt  }
0x87: {  	_ =	shalt  }
.Lfunc_end0:
.L_simem_size_0:
called_computation_lowered:
.L_overlay_start_0:
0x88: {  	s2 =	sld [smem:$0x3FD9]  }
0x89: {  	s3 =	sld [smem:$0x3FFE];
	_ =	sdelay $0x1  }
0x8a: {  	s1 =	srdreg.scid  }
0x8b: {  	s0 =	sand.u32 $0x1, s1  }
0x8c: {  	s17 =	sshll.u32 s0, $0xA;
	s2 =	sadd.s32 s3, s2  }
0x8d: {  	s2 =	sadd.s32 s2, s17  }
0x8e: {  	[smem:$0x3FC6] =	sst s2  }
0x8f: {  	_ = 	snop  }
0x90: {  	s2 =	sld [smem:$0x3FC8]  }
0x91: {  	s18 =	sld [smem:$0x3FD0];
	(tm) =	ssettm $0x1  }
0x92: {  	s4 =	sld [smem:$0x3FFB];
	_ =	sdelay $0x3  }
0x93: {  	_ =	strace s4  }
0x94: {  	s4 =	sld [smem:$0x3FFC];
	_ =	sdelay $0x3  }
0x95: {  	_ =	strace s4  }
0x96: {  	s4 =	sld [smem:$0x3FFD];
	_ =	sdelay $0x3  }
0x97: {  	_ =	strace s4  }
0x98: {  	_ =	strace $0x8FFFFFFF  }
0x99: {  	s19 =	sld [smem:$0x3FDB];
	_ =	sdelay $0x1  }
0x9a: {  	s5 =	simm.s32 $_scs_section_size  }
0x9b: {  	s6 =	simm.s32 $_size__tile_overlayer_lowered;
	s7 =	simm.s32 $_tile_overlayer_lowered  }
0x9c: {  	s22 =	simm.s32 $0x1BFF;
	s21 =	sshll.u32 s7, $0x1;
	s4 =	sadd.s32 s5, s19  }
0x9d: {  	s8 =	simm.s32 $0x0;
	s20 =	sshll.u32 s6, $0x1;
	s6 =	sadd.s32 s21, s4  }
0x9e: {  	[timem:s8], [sflag:s22] =	dma.local [hbm:s6], s20  }
0x9f: {  	_ =	swait.ge [sflag:s22], s20  }
0xa0: {  	s5 =	ssub.s32 $0x0, s20;
	[sflag:s22] =	ssyncset.done $0x0  }
0xa1: {  	[sflag:s22] =	ssyncadd.s32 s5;
	_ =	sdelay $0x1  }
0xa2: {  	s23 =	simm.s32 $0x1B8B  }
0xa3: {  	_ =	swait.ge [sflag:s23], $0x1  }
0xa4: {  	[sflag:s23] =	ssyncset.done $0x0  }
0xa5: {  	s25 =	simm.s32 $0x1B8E;
	s24 =	sld [smem:$0x3FFE];
	[sflag:s23] =	ssyncadd.s32 $0xFFFFFFFF  }
0xa6: {  	s26 =	simm.s32 $execute0_lowered;
	[smem:$0x3FD2] =	sst s25  }
0xa7: {  	s6 =	sshll.u32 s26, $0x1;
	_ =	strace $0x80000046;
	[dreg:$0x1] =	wrdreg $0xFFFFFFFF  }
0xa8: {  	s28 =	simm.s32 $_size_execute0_lowered;
	s4 =	sadd.s32 s4, s6;
	[dreg:$0x0] =	wrdreg $0x0  }
0xa9: {  	s6 =	sshll.u32 s28, $0x1;
	[dreg:$0x2] =	wrdreg s4  }
0xaa: {  	[dreg:$0x3] =	wrdreg s6  }
0xab: {  	[dreg:$0x4] =	wrdreg $0xC0  }
0xac: {  	_ =	task [dreg:s8], $0x5FFFF  }
0xad: {  	[dreg:$0x1] =	wrdreg $0xFFFFFFFF  }
0xae: {  	[dreg:$0x0] =	wrdreg $0x60  }
0xaf: {  	[dreg:$0x2] =	wrdreg s24  }
0xb0: {  	[dreg:$0x3] =	wrdreg s2  }
0xb1: {  	[dreg:$0x4] =	wrdreg s18  }
0xb2: {  	[dreg:$0x5] =	wrdreg $0x9  }
0xb3: {  	_ =	task.clear_ibuf [dreg:s8], $0x6FFFF;
	_ =	strace $0x90000046  }
0xb4: {  	s29 =	simm.s32 $0x9;
	_ =	strace $0x80000048  }
0xb5: {  	_ =	swait.ge [sflag:s29], $0x1  }
0xb6: {  	[sflag:s29] =	ssyncadd.s32 $0xFFFFFFFF  }
0xb7: {  	_ =	strace $0x90000048  }
0xb8: {  	_ =	sfence  }
0xb9: {  	s30 =	sld [smem:$0x0];
	_ =	sdelay $0x2  }
0xba: {  	s31 =	sshll.u32 s1, $0xD;
	s1 =	sshrl.u32 s1, $0x2  }
0xbb: {  	s3 =	sand.u32 $0x4000, s31;
	s1 =	sadd.s32 s1, s30  }
0xbc: {  	s0 =	sor.u32 s3, s0;
	s1 =	sshll.u32 s1, $0x11  }
0xbd: {  	s0 =	sor.u32 s1, s0  }
0xbe: {  	s0 =	sadd.s32 $0x8F2B, s0  }
0xbf: {  	[sflag:s0] =	ssyncadd.remote.s32 $0x1  }
0xc0: {  	_ =	sfence.sel $0xFFFF  }
0xc1: {  	[dreg:$0x0] =	wrdreg $0xFFFFFFFF;
	(pc) =	sbr.abs _section_cstart, $3  }
0xc2: {  	[dreg:$0x1] =	wrdreg $0xFFFFFFFF  }
0xc3: {  	_ =	task.clear_ibuf [dreg:s8], $0x2FFFF;
	_ =	strace $0x9FFFFFFF  }
0xc4: {  	(tm) =	ssettm $0x7FFFFFFF  }
0xc5: {  	_ =	shalt  }
tec
execute0_lowered:
.L_overlay_start_1:
0x0: {  	(tag) =	ssettag $0x1  }
0x1: {  	s0 =	rddreg [dreg:$0x0]  }
0x2: {  	s2 =	rddreg [dreg:$0x1]  }
0x3: {  	s3 =	rddreg [dreg:$0x2]  }
0x4: {  	s5 =	srdreg.scid;
	s1 =	stileid.u32  }
0x5: {  	s4 =	simm.s32 $0x0;
	s12 =	simm.s32 $0x80;
	s13 =	simm.s32 $0x1000  }
0x6: {  	s14 =	simm.s32 $0x3;
	s15 =	simm.s32 $0x1C00;
	s16 =	simm.s32 $0x5C00  }
0x7: {  	s17 =	simm.s32 $0x100;
	s18 =	simm.s32 $0x9C00;
	s19 =	simm.s32 $0x180  }
0x8: {  	s20 =	simm.s32 $0xDC00;
	s21 =	simm.s32 $0x1;
	s22 =	simm.s32 $0x11C00  }
0x9: {  	s23 =	simm.s32 $0x2;
	s5 =	sand.u32 $0x1, s5;
	s6 =	sshll.u32 s1, $0x1  }
0xa: {  	s24 =	simm.s32 $0x0;
	[smem:$0x7FF] =	sst s4;
	s10 =	sor.u32 s5, s6  }
0xb: {  	s5 =	ssub.s32 $0x2, s5;
	_ =	strace $0x80000047;
	s6 =	sshll.u32 s10, $0x4  }
0xc: {  	s7 =	sshrl.u32 s5, $0x1;
	s30 =	sshll.u32 s10, $0xE;
	s31 =	sshll.u32 s10, $0xB  }
0xd: {  	s0 =	sadd.s32 s6, s0;
	s11 =	ssub.s32 s5, s7;
	s5 =	sshll.u32 s10, $0x7  }
0xe: {  	s8 =	sor.u32 $0x100000, s30;
	s9 =	sor.u32 $0x180000, s30;
	s10 =	sadd.s32 s3, s31  }
0xf: {  	s6 =	sadd.s32 $0x400, s0;
	s7 =	sor.u32 $0x1000, s5;
	s11 =	smax.u32 s11, $0x1  }
.LBB2_1:
0x10: {  	[tilespmem:s4], [sflag:$0x3] =	stream.strided.gather [hbm4b:s6+s12], $0x1900, s13, s12, $0x38;
	[tilespmem:$0x15C00] =	vst v63  }
0x11: {  	_ =	swait.ge [sflag:s14], $0x1900  }
0x12: {  	[sflag:s14] =	ssyncset.done $0x0  }
0x13: {  	[sflag:s14] =	ssyncadd.s32 $0xFFFFE700  }
0x14: {  	[tilespmem:s15], [sflag:$0x1] =	stream.indirect.gather [hbm4b:s2+s12], $0x80, s4, s12, $0xb8;
	[tilespmem:$0x15C00] =	vst v63  }
0x15: {  	_ = 	snop  }
0x16: {  	[tilespmem:s16], [sflag:$0x1] =	stream.indirect.gather [hbm4b:s2+s12], $0x80, s12, s12, $0xb8;
	[tilespmem:$0x15C00] =	vst v63  }
0x17: {  	_ = 	snop  }
0x18: {  	[tilespmem:s18], [sflag:$0x1] =	stream.indirect.gather [hbm4b:s2+s12], $0x80, s17, s12, $0xb8;
	[tilespmem:$0x15C00] =	vst v63  }
0x19: {  	s25 =	simm.s32 $0x0  }
0x1a: {  	[tilespmem:s20], [sflag:$0x1] =	stream.indirect.gather [hbm4b:s2+s12], $0x80, s19, s12, $0xb8;
	[tilespmem:$0x15C00] =	vst v63  }
.LBB2_2:
0x1b: {  	_ =	swait.ge [sflag:s21], $0x4000  }
0x1c: {  	s0 =	smul.u32 $0x5, s25;
	p0 =	seq.s32 s25, $0x0;
	[sflag:s21] =	ssyncset.done $0x0  }
0x1d: {  	s28 =	simm.s32 @!p0 $0x2;
	[sflag:s21] =	ssyncadd.s32 $0xFFFFC000  }
0x1e: {  	s26 =	sadd.s32 $0x4, s0;
	_ =	swait.ge @!p0 [sflag:s28], $0x4000  }
0x1f: {  	s0 =	sshll.u32 s26, $0x7;
	[sflag:s28] =	ssyncset.done @!p0 $0x0  }
0x20: {  	s0 =	sand.u32 $0x3FFFFF80, s0;
	[sflag:s28] =	ssyncadd.s32 @!p0 $0xFFFFC000;
	s28 =	simm.s32 $0x1D00  }
0x21: {  	[tilespmem:s22], [sflag:$0x1] =	stream.indirect.gather [hbm4b:s2+s12], $0x80, s0, s12, $0xb8;
	[tilespmem:$0x15C00] =	vst v63  }
0x22: {  	v0 =	vld [tilespmem:s28+$0xF0]  }
0x23: {  	v1 =	vld [tilespmem:s28+$0xFFFFFF10]  }
0x24: {  	v2 =	vld [tilespmem:s28+$0xFFFFFF20]  }
0x25: {  	v3 =	vld [tilespmem:s28+$0xFFFFFF30]  }
0x26: {  	v6 =	vld [tilespmem:s28+$0xFFFFFF60]  }
0x27: {  	v4 =	vld [tilespmem:s28+$0xFFFFFF40]  }
0x28: {  	v5 =	vld [tilespmem:s28+$0xFFFFFF50];
	v0 =	vmul.f32 $1.131370830e+01, v0  }
0x29: {  	v8 =	vld [tilespmem:s28+$0xFFFFFF80];
	v1 =	vmul.f32 $1.131370830e+01, v1  }
0x2a: {  	v7 =	vld [tilespmem:s28+$0xFFFFFF70];
	v2 =	vmul.f32 $1.131370830e+01, v2;
	[tilespmem:s28+$0xF0] =	vst v0  }
0x2b: {  	v6 =	vmul.f32 $1.131370830e+01, v6;
	v0 =	vld [tilespmem:s28+$0xFFFFFF90];
	[tilespmem:s28+$0xFFFFFF10] =	vst v1  }
0x2c: {  	v1 =	vmul.f32 $1.131370830e+01, v3;
	v3 =	vld [tilespmem:s28+$0xFFFFFFA0];
	[tilespmem:s28+$0xFFFFFF20] =	vst v2;
	v2 =	vmul.f32 $1.131370830e+01, v4  }
0x2d: {  	[tilespmem:s28+$0xFFFFFF60] =	vst v6;
	v6 =	vld [tilespmem:s28+$0xFFFFFFF0]  }
0x2e: {  	v4 =	vld [tilespmem:s28+$0xFFFFFFB0];
	[tilespmem:s28+$0xFFFFFF40] =	vst v2;
	v2 =	vmul.f32 $1.131370830e+01, v8  }
0x2f: {  	[tilespmem:s28+$0xFFFFFF30] =	vst v1;
	v1 =	vmul.f32 $1.131370830e+01, v5;
	v5 =	vld [tilespmem:s28+$0xFFFFFFC0]  }
0x30: {  	v8 =	vld [tilespmem:s28+$0xFFFFFFD0];
	[tilespmem:s28+$0xFFFFFF80] =	vst v2;
	v2 =	vmul.f32 $1.131370830e+01, v7  }
0x31: {  	[tilespmem:s28+$0xFFFFFF50] =	vst v1;
	v1 =	vld [tilespmem:s28+$0xFFFFFFE0];
	v0 =	vmul.f32 $1.131370830e+01, v0  }
0x32: {  	v7 =	vld [tilespmem:s28+$0x30];
	v6 =	vmul.f32 $1.131370830e+01, v6;
	[tilespmem:s28+$0xFFFFFF70] =	vst v2  }
0x33: {  	v2 =	vmul.f32 $1.131370830e+01, v3;
	v3 =	vld [tilespmem:s28+$0x0];
	[tilespmem:s28+$0xFFFFFF90] =	vst v0  }
0x34: {  	v0 =	vmul.f32 $1.131370830e+01, v4;
	v4 =	vld [tilespmem:s28+$0x10];
	[tilespmem:s28+$0xFFFFFFF0] =	vst v6  }
0x35: {  	[tilespmem:s28+$0xFFFFFFA0] =	vst v2;
	v2 =	vmul.f32 $1.131370830e+01, v5;
	v5 =	vld [tilespmem:s28+$0x20]  }
0x36: {  	v6 =	vld [tilespmem:s28+$0x80];
	[tilespmem:s28+$0xFFFFFFB0] =	vst v0;
	v0 =	vmul.f32 $1.131370830e+01, v8  }
0x37: {  	v1 =	vmul.f32 $1.131370830e+01, v1;
	[tilespmem:s28+$0xFFFFFFC0] =	vst v2;
	v2 =	vld [tilespmem:s28+$0x40]  }
0x38: {  	[tilespmem:s28+$0xFFFFFFD0] =	vst v0;
	v0 =	vmul.f32 $1.131370830e+01, v3;
	v3 =	vld [tilespmem:s28+$0x50]  }
0x39: {  	[tilespmem:s28+$0xFFFFFFE0] =	vst v1;
	v1 =	vld [tilespmem:s28+$0x60];
	v4 =	vmul.f32 $1.131370830e+01, v4  }
0x3a: {  	[tilespmem:s28+$0x0] =	vst v0;
	v0 =	vmul.f32 $1.131370830e+01, v5;
	v5 =	vld [tilespmem:s28+$0x70]  }
0x3b: {  	v6 =	vmul.f32 $1.131370830e+01, v6;
	[tilespmem:s28+$0x10] =	vst v4  }
0x3c: {  	v4 =	vmul.f32 $1.131370830e+01, v7;
	v7 =	vld [tilespmem:s28+$0x90];
	[tilespmem:s28+$0x20] =	vst v0;
	v0 =	vmul.f32 $1.131370830e+01, v2  }
0x3d: {  	v8 =	vld [tilespmem:s28+$0xA0];
	[tilespmem:s28+$0x80] =	vst v6;
	v2 =	vmul.f32 $1.131370830e+01, v3  }
0x3e: {  	v3 =	vmul.f32 $1.131370830e+01, v1;
	[tilespmem:s28+$0x40] =	vst v0;
	v0 =	vld [tilespmem:s28+$0xB0]  }
0x3f: {  	v1 =	vld [tilespmem:s28+$0xC0];
	[tilespmem:s28+$0x50] =	vst v2;
	v2 =	vmul.f32 $1.131370830e+01, v5  }
0x40: {  	[tilespmem:s28+$0x60] =	vst v3;
	v3 =	vld [tilespmem:s28+$0xD0]  }
0x41: {  	v5 =	vmul.f32 $1.131370830e+01, v7;
	[tilespmem:s28+$0x70] =	vst v2;
	v2 =	vld [tilespmem:s28+$0xE0]  }
0x42: {  	s29 =	simm.s32 $0x0;
	s30 =	simm.s32 $0x1F00;
	v6 =	vmul.f32 $1.131370830e+01, v8;
	[tilespmem:s28+$0x30] =	vst v4;
	v4 =	vld [tilespmem:s28+$0xFFFFFF00]  }
.LBB2_3:
0x43: {  	v7 =	vld [tilespmem:s30+$0xF0];
	s29 =	sadd.s32 $0x4, s29;
	[tilespmem:s28+$0x90] =	vst v5;
	v0 =	vmul.f32 $1.131370830e+01, v0  }
0x44: {  	v5 =	vld [tilespmem:s30+$0xFFFFFF10];
	p0 =	slt.u32 s29, $0x7C;
	[tilespmem:s28+$0xA0] =	vst v6;
	v1 =	vmul.f32 $1.131370830e+01, v1  }
0x45: {  	v6 =	vld [tilespmem:s30+$0xFFFFFF20];
	[tilespmem:s28+$0xB0] =	vst v0;
	v0 =	vmul.f32 $1.131370830e+01, v3  }
0x46: {  	v3 =	vld [tilespmem:s30+$0xFFFFFF30];
	[tilespmem:s28+$0xC0] =	vst v1;
	v1 =	vmul.f32 $1.131370830e+01, v2  }
0x47: {  	v2 =	vld [tilespmem:s30+$0xFFFFFF40];
	v4 =	vmul.f32 $1.131370830e+01, v4;
	[tilespmem:s28+$0xD0] =	vst v0  }
0x48: {  	v0 =	vld [tilespmem:s30+$0xFFFFFF50];
	v7 =	vmul.f32 $1.131370830e+01, v7;
	[tilespmem:s28+$0xE0] =	vst v1  }
0x49: {  	v1 =	vmul.f32 $1.131370830e+01, v5;
	v5 =	vld [tilespmem:s30+$0xFFFFFF60];
	[tilespmem:s28+$0xFFFFFF00] =	vst v4;
	s28 =	smov.u32 s30  }
0x4a: {  	v4 =	vmul.f32 $1.131370830e+01, v6;
	v6 =	vld [tilespmem:s30+$0xFFFFFF70];
	[tilespmem:s30+$0xF0] =	vst v7  }
0x4b: {  	[tilespmem:s30+$0xFFFFFF10] =	vst v1;
	v1 =	vmul.f32 $1.131370830e+01, v3;
	v3 =	vld [tilespmem:s30+$0xFFFFFF80]  }
0x4c: {  	[tilespmem:s30+$0xFFFFFF20] =	vst v4;
	v2 =	vmul.f32 $1.131370830e+01, v2;
	v4 =	vld [tilespmem:s30+$0xFFFFFF90]  }
0x4d: {  	[tilespmem:s30+$0xFFFFFF30] =	vst v1;
	v0 =	vmul.f32 $1.131370830e+01, v0;
	v1 =	vld [tilespmem:s30+$0xFFFFFFA0]  }
0x4e: {  	[tilespmem:s30+$0xFFFFFF40] =	vst v2;
	v2 =	vmul.f32 $1.131370830e+01, v5;
	v5 =	vld [tilespmem:s30+$0xFFFFFFB0]  }
0x4f: {  	[tilespmem:s30+$0xFFFFFF50] =	vst v0;
	v0 =	vmul.f32 $1.131370830e+01, v6;
	v6 =	vld [tilespmem:s30+$0xFFFFFFC0]  }
0x50: {  	[tilespmem:s30+$0xFFFFFF60] =	vst v2;
	v2 =	vmul.f32 $1.131370830e+01, v3;
	v3 =	vld [tilespmem:s30+$0xFFFFFFD0]  }
0x51: {  	[tilespmem:s30+$0xFFFFFF70] =	vst v0;
	v0 =	vmul.f32 $1.131370830e+01, v4;
	v4 =	vld [tilespmem:s30+$0xFFFFFFE0]  }
0x52: {  	[tilespmem:s30+$0xFFFFFF80] =	vst v2;
	v1 =	vmul.f32 $1.131370830e+01, v1;
	v2 =	vld [tilespmem:s30+$0xFFFFFFF0]  }
0x53: {  	[tilespmem:s30+$0xFFFFFF90] =	vst v0;
	v0 =	vmul.f32 $1.131370830e+01, v5;
	v5 =	vld [tilespmem:s30+$0x0]  }
0x54: {  	[tilespmem:s30+$0xFFFFFFA0] =	vst v1;
	v1 =	vmul.f32 $1.131370830e+01, v6;
	v6 =	vld [tilespmem:s30+$0x10]  }
0x55: {  	[tilespmem:s30+$0xFFFFFFB0] =	vst v0;
	v0 =	vmul.f32 $1.131370830e+01, v3;
	v3 =	vld [tilespmem:s30+$0x20]  }
0x56: {  	[tilespmem:s30+$0xFFFFFFC0] =	vst v1;
	v1 =	vmul.f32 $1.131370830e+01, v4;
	v4 =	vld [tilespmem:s30+$0x30]  }
0x57: {  	[tilespmem:s30+$0xFFFFFFD0] =	vst v0;
	v0 =	vmul.f32 $1.131370830e+01, v2;
	v2 =	vld [tilespmem:s30+$0x40]  }
0x58: {  	[tilespmem:s30+$0xFFFFFFE0] =	vst v1;
	v1 =	vmul.f32 $1.131370830e+01, v5;
	v5 =	vld [tilespmem:s30+$0x50]  }
0x59: {  	[tilespmem:s30+$0xFFFFFFF0] =	vst v0;
	v0 =	vmul.f32 $1.131370830e+01, v6;
	v6 =	vld [tilespmem:s30+$0x60]  }
0x5a: {  	[tilespmem:s30+$0x0] =	vst v1;
	v1 =	vmul.f32 $1.131370830e+01, v3;
	v3 =	vld [tilespmem:s30+$0x70]  }
0x5b: {  	[tilespmem:s30+$0x10] =	vst v0;
	v0 =	vmul.f32 $1.131370830e+01, v4;
	v4 =	vld [tilespmem:s30+$0x80]  }
0x5c: {  	[tilespmem:s30+$0x20] =	vst v1;
	v1 =	vmul.f32 $1.131370830e+01, v2;
	v2 =	vld [tilespmem:s30+$0x90]  }
0x5d: {  	[tilespmem:s30+$0x30] =	vst v0;
	v5 =	vmul.f32 $1.131370830e+01, v5;
	v7 =	vld [tilespmem:s30+$0xA0]  }
.Ltmp0:
0x5e: {  	[tilespmem:s30+$0x40] =	vst v1;
	v6 =	vmul.f32 $1.131370830e+01, v6;
	v0 =	vld [tilespmem:s30+$0xB0];
	(pc) =	sbr.rel @p0 .LBB2_3-.Ltmp0, $4  }
0x5f: {  	[tilespmem:s30+$0x50] =	vst v5;
	v5 =	vmul.f32 $1.131370830e+01, v3;
	v1 =	vld [tilespmem:s30+$0xC0]  }
0x60: {  	[tilespmem:s30+$0x60] =	vst v6;
	v6 =	vmul.f32 $1.131370830e+01, v4;
	v3 =	vld [tilespmem:s30+$0xD0]  }
0x61: {  	[tilespmem:s30+$0x70] =	vst v5;
	v5 =	vmul.f32 $1.131370830e+01, v2;
	v2 =	vld [tilespmem:s30+$0xE0]  }
0x62: {  	s30 =	sadd.s32 $0x200, s30;
	v4 =	vld [tilespmem:s28+$0xFFFFFF00];
	[tilespmem:s28+$0x80] =	vst v6;
	v6 =	vmul.f32 $1.131370830e+01, v7  }
0x63: {  	[tilespmem:s28+$0x90] =	vst v5;
	v0 =	vmul.f32 $1.131370830e+01, v0  }
0x64: {  	[tilespmem:s28+$0xA0] =	vst v6;
	v1 =	vmul.f32 $1.131370830e+01, v1  }
0x65: {  	s29 =	smul.u32 $0x5000, s25;
	[tilespmem:s28+$0xB0] =	vst v0;
	v0 =	vmul.f32 $1.131370830e+01, v3  }
0x66: {  	[tilespmem:s28+$0xC0] =	vst v1;
	v1 =	vmul.f32 $1.131370830e+01, v2  }
0x67: {  	s0 =	sor.u32 s5, s29;
	v2 =	vmul.f32 $1.131370830e+01, v4;
	[tilespmem:s28+$0xD0] =	vst v0  }
0x68: {  	s0 =	sshll.u32 s0, $0x4;
	[tilespmem:s28+$0xE0] =	vst v1  }
0x69: {  	s0 =	sadd.s32 s3, s0;
	[tilespmem:s28+$0xFFFFFF00] =	vst v2  }
0x6a: {  	[hbm4b:s0+s4] =	stream.linear.scatter [tilespmem:s15], [sflag:$0x2], $0x4000, $0x38;
	[tilespmem:$0x15C00] =	vst v63  }
0x6b: {  	_ =	swait.ge [sflag:s21], $0x4000  }
0x6c: {  	p0 =	seq.s32 s25, $0x9;
	[sflag:s21] =	ssyncset.done $0x0  }
0x6d: {  	s0 =	smul.u32 @!p0 $0xA00, s25;
	[sflag:s21] =	ssyncadd.s32 $0xFFFFC000  }
0x6e: {  	_ =	swait.ge [sflag:s23], $0x4000  }
0x6f: {  	s30 =	simm.s32 @!p0 $0x80;
	s28 =	sshra.s32 @!p0 s0, $0x2;
	[sflag:s23] =	ssyncset.done $0x0  }
0x70: {  	s31 =	simm.s32 @!p0 $0x1C00;
	s0 =	sadd.s32 @!p0 $0x280, s28;
	[sflag:s23] =	ssyncadd.s32 $0xFFFFC000  }
0x71: {  	[tilespmem:s31], [sflag:$0x1] =	stream.indirect.gather @!p0 [hbm4b:s2+s30], $0x80, s0, s30, $0xb8;
	[tilespmem:$0x15C00] =	vst v63  }
0x72: {  	s30 =	simm.s32 $0x5C00  }
0x73: {  	v0 =	vld [tilespmem:s30+$0x1F0]  }
0x74: {  	v1 =	vld [tilespmem:s30+$0x10]  }
0x75: {  	v2 =	vld [tilespmem:s30+$0x20]  }
0x76: {  	v3 =	vld [tilespmem:s30+$0x30]  }
0x77: {  	v6 =	vld [tilespmem:s30+$0x60]  }
0x78: {  	v4 =	vld [tilespmem:s30+$0x40]  }
0x79: {  	v5 =	vld [tilespmem:s30+$0x50];
	v0 =	vmul.f32 $1.131370830e+01, v0  }
0x7a: {  	v8 =	vld [tilespmem:s30+$0x80];
	v1 =	vmul.f32 $1.131370830e+01, v1  }
0x7b: {  	v7 =	vld [tilespmem:s30+$0x70];
	v2 =	vmul.f32 $1.131370830e+01, v2;
	[tilespmem:s30+$0x1F0] =	vst v0  }
0x7c: {  	v6 =	vmul.f32 $1.131370830e+01, v6;
	v0 =	vld [tilespmem:s30+$0x90];
	[tilespmem:s30+$0x10] =	vst v1  }
0x7d: {  	v1 =	vmul.f32 $1.131370830e+01, v3;
	v3 =	vld [tilespmem:s30+$0xA0];
	[tilespmem:s30+$0x20] =	vst v2;
	v2 =	vmul.f32 $1.131370830e+01, v4  }
0x7e: {  	[tilespmem:s30+$0x60] =	vst v6;
	v6 =	vld [tilespmem:s30+$0xF0]  }
0x7f: {  	v4 =	vld [tilespmem:s30+$0xB0];
	[tilespmem:s30+$0x40] =	vst v2;
	v2 =	vmul.f32 $1.131370830e+01, v8  }
0x80: {  	[tilespmem:s30+$0x30] =	vst v1;
	v1 =	vmul.f32 $1.131370830e+01, v5;
	v5 =	vld [tilespmem:s30+$0xC0]  }
0x81: {  	v8 =	vld [tilespmem:s30+$0xD0];
	[tilespmem:s30+$0x80] =	vst v2;
	v2 =	vmul.f32 $1.131370830e+01, v7  }
0x82: {  	[tilespmem:s30+$0x50] =	vst v1;
	v1 =	vld [tilespmem:s30+$0xE0];
	v0 =	vmul.f32 $1.131370830e+01, v0  }
0x83: {  	v7 =	vld [tilespmem:s30+$0x130];
	v6 =	vmul.f32 $1.131370830e+01, v6;
	[tilespmem:s30+$0x70] =	vst v2  }
0x84: {  	v2 =	vmul.f32 $1.131370830e+01, v3;
	v3 =	vld [tilespmem:s30+$0x100];
	[tilespmem:s30+$0x90] =	vst v0  }
0x85: {  	v0 =	vmul.f32 $1.131370830e+01, v4;
	v4 =	vld [tilespmem:s30+$0x110];
	[tilespmem:s30+$0xF0] =	vst v6  }
0x86: {  	[tilespmem:s30+$0xA0] =	vst v2;
	v2 =	vmul.f32 $1.131370830e+01, v5;
	v5 =	vld [tilespmem:s30+$0x120]  }
0x87: {  	v6 =	vld [tilespmem:s30+$0x180];
	[tilespmem:s30+$0xB0] =	vst v0;
	v0 =	vmul.f32 $1.131370830e+01, v8  }
0x88: {  	v1 =	vmul.f32 $1.131370830e+01, v1;
	[tilespmem:s30+$0xC0] =	vst v2;
	v2 =	vld [tilespmem:s30+$0x140]  }
0x89: {  	[tilespmem:s30+$0xD0] =	vst v0;
	v0 =	vmul.f32 $1.131370830e+01, v3  }
0x8a: {  	v3 =	vld [tilespmem:s30+$0x150];
	[tilespmem:s30+$0xE0] =	vst v1;
	v4 =	vmul.f32 $1.131370830e+01, v4  }
0x8b: {  	v1 =	vld [tilespmem:s30+$0x160];
	[tilespmem:s30+$0x100] =	vst v0;
	v0 =	vmul.f32 $1.131370830e+01, v5  }
0x8c: {  	v6 =	vmul.f32 $1.131370830e+01, v6;
	v5 =	vld [tilespmem:s30+$0x170];
	[tilespmem:s30+$0x110] =	vst v4  }
0x8d: {  	v4 =	vmul.f32 $1.131370830e+01, v7;
	v7 =	vld [tilespmem:s30+$0x190];
	[tilespmem:s30+$0x120] =	vst v0;
	v0 =	vmul.f32 $1.131370830e+01, v2  }
0x8e: {  	v8 =	vld [tilespmem:s30+$0x1A0];
	[tilespmem:s30+$0x180] =	vst v6  }
0x8f: {  	v2 =	vmul.f32 $1.131370830e+01, v3;
	[tilespmem:s30+$0x140] =	vst v0;
	v0 =	vld [tilespmem:s30+$0x1B0]  }
0x90: {  	[tilespmem:s30+$0x130] =	vst v4;
	v3 =	vmul.f32 $1.131370830e+01, v1;
	v1 =	vld [tilespmem:s30+$0x1C0]  }
0x91: {  	[tilespmem:s30+$0x150] =	vst v2;
	v4 =	vmul.f32 $1.131370830e+01, v5;
	v2 =	vld [tilespmem:s30+$0x1D0]  }
0x92: {  	[tilespmem:s30+$0x160] =	vst v3;
	v3 =	vld [tilespmem:s30+$0x1E0];
	v5 =	vmul.f32 $1.131370830e+01, v7  }
0x93: {  	s31 =	simm.s32 $0x0;
	s0 =	simm.s32 $0x5E00;
	v6 =	vmul.f32 $1.131370830e+01, v8;
	[tilespmem:s30+$0x170] =	vst v4;
	v4 =	vld [tilespmem:s30+$0x0]  }
.LBB2_5:
0x94: {  	v7 =	vld [tilespmem:s0+$0x1F0];
	s31 =	sadd.s32 $0x4, s31;
	[tilespmem:s30+$0x190] =	vst v5;
	v0 =	vmul.f32 $1.131370830e+01, v0  }
0x95: {  	v5 =	vld [tilespmem:s0+$0x10];
	p1 =	slt.u32 s31, $0x7C;
	[tilespmem:s30+$0x1A0] =	vst v6;
	v1 =	vmul.f32 $1.131370830e+01, v1  }
0x96: {  	v6 =	vld [tilespmem:s0+$0x20];
	[tilespmem:s30+$0x1B0] =	vst v0;
	v0 =	vmul.f32 $1.131370830e+01, v2  }
0x97: {  	v2 =	vld [tilespmem:s0+$0x30];
	[tilespmem:s30+$0x1C0] =	vst v1;
	v1 =	vmul.f32 $1.131370830e+01, v3  }
0x98: {  	v3 =	vld [tilespmem:s0+$0x40];
	v4 =	vmul.f32 $1.131370830e+01, v4;
	[tilespmem:s30+$0x1D0] =	vst v0  }
0x99: {  	v0 =	vld [tilespmem:s0+$0x50];
	v7 =	vmul.f32 $1.131370830e+01, v7;
	[tilespmem:s30+$0x1E0] =	vst v1  }
0x9a: {  	v1 =	vmul.f32 $1.131370830e+01, v5;
	v5 =	vld [tilespmem:s0+$0x60];
	[tilespmem:s30+$0x0] =	vst v4;
	s30 =	smov.u32 s0  }
0x9b: {  	v4 =	vmul.f32 $1.131370830e+01, v6;
	v6 =	vld [tilespmem:s0+$0x70];
	[tilespmem:s0+$0x1F0] =	vst v7  }
0x9c: {  	[tilespmem:s0+$0x10] =	vst v1;
	v1 =	vmul.f32 $1.131370830e+01, v2;
	v2 =	vld [tilespmem:s0+$0x80]  }
0x9d: {  	[tilespmem:s0+$0x20] =	vst v4;
	v3 =	vmul.f32 $1.131370830e+01, v3;
	v4 =	vld [tilespmem:s0+$0x90]  }
0x9e: {  	[tilespmem:s0+$0x30] =	vst v1;
	v0 =	vmul.f32 $1.131370830e+01, v0;
	v1 =	vld [tilespmem:s0+$0xA0]  }
0x9f: {  	[tilespmem:s0+$0x40] =	vst v3;
	v3 =	vmul.f32 $1.131370830e+01, v5;
	v5 =	vld [tilespmem:s0+$0xB0]  }
0xa0: {  	[tilespmem:s0+$0x50] =	vst v0;
	v0 =	vmul.f32 $1.131370830e+01, v6;
	v6 =	vld [tilespmem:s0+$0xC0]  }
0xa1: {  	[tilespmem:s0+$0x60] =	vst v3;
	v2 =	vmul.f32 $1.131370830e+01, v2;
	v3 =	vld [tilespmem:s0+$0xD0]  }
0xa2: {  	[tilespmem:s0+$0x70] =	vst v0;
	v0 =	vmul.f32 $1.131370830e+01, v4;
	v4 =	vld [tilespmem:s0+$0xE0]  }
0xa3: {  	[tilespmem:s0+$0x80] =	vst v2;
	v1 =	vmul.f32 $1.131370830e+01, v1;
	v2 =	vld [tilespmem:s0+$0xF0]  }
0xa4: {  	[tilespmem:s0+$0x90] =	vst v0;
	v0 =	vmul.f32 $1.131370830e+01, v5;
	v5 =	vld [tilespmem:s0+$0x100]  }
0xa5: {  	[tilespmem:s0+$0xA0] =	vst v1;
	v1 =	vmul.f32 $1.131370830e+01, v6;
	v6 =	vld [tilespmem:s0+$0x110]  }
0xa6: {  	[tilespmem:s0+$0xB0] =	vst v0;
	v0 =	vmul.f32 $1.131370830e+01, v3;
	v3 =	vld [tilespmem:s0+$0x120]  }
0xa7: {  	[tilespmem:s0+$0xC0] =	vst v1;
	v1 =	vmul.f32 $1.131370830e+01, v4;
	v4 =	vld [tilespmem:s0+$0x130]  }
0xa8: {  	[tilespmem:s0+$0xD0] =	vst v0;
	v0 =	vmul.f32 $1.131370830e+01, v2;
	v2 =	vld [tilespmem:s0+$0x140]  }
0xa9: {  	[tilespmem:s0+$0xE0] =	vst v1;
	v1 =	vmul.f32 $1.131370830e+01, v5;
	v5 =	vld [tilespmem:s0+$0x150]  }
0xaa: {  	[tilespmem:s0+$0xF0] =	vst v0;
	v0 =	vmul.f32 $1.131370830e+01, v6;
	v6 =	vld [tilespmem:s0+$0x160]  }
0xab: {  	[tilespmem:s0+$0x100] =	vst v1;
	v1 =	vmul.f32 $1.131370830e+01, v3;
	v3 =	vld [tilespmem:s0+$0x170]  }
0xac: {  	[tilespmem:s0+$0x110] =	vst v0;
	v0 =	vmul.f32 $1.131370830e+01, v4;
	v4 =	vld [tilespmem:s0+$0x180]  }
0xad: {  	[tilespmem:s0+$0x120] =	vst v1;
	v1 =	vmul.f32 $1.131370830e+01, v2;
	v7 =	vld [tilespmem:s0+$0x190]  }
0xae: {  	[tilespmem:s0+$0x130] =	vst v0;
	v2 =	vmul.f32 $1.131370830e+01, v5;
	v8 =	vld [tilespmem:s0+$0x1A0]  }
.Ltmp1:
0xaf: {  	[tilespmem:s0+$0x140] =	vst v1;
	v5 =	vmul.f32 $1.131370830e+01, v6;
	v0 =	vld [tilespmem:s0+$0x1B0];
	(pc) =	sbr.rel @p1 .LBB2_5-.Ltmp1, $4  }
0xb0: {  	[tilespmem:s0+$0x150] =	vst v2;
	v3 =	vmul.f32 $1.131370830e+01, v3;
	v1 =	vld [tilespmem:s0+$0x1C0]  }
0xb1: {  	[tilespmem:s0+$0x160] =	vst v5;
	v6 =	vmul.f32 $1.131370830e+01, v4;
	v2 =	vld [tilespmem:s0+$0x1D0]  }
0xb2: {  	[tilespmem:s0+$0x170] =	vst v3;
	v5 =	vmul.f32 $1.131370830e+01, v7;
	v3 =	vld [tilespmem:s0+$0x1E0]  }
0xb3: {  	s0 =	sadd.s32 $0x200, s0;
	v4 =	vld [tilespmem:s30+$0x0];
	[tilespmem:s30+$0x180] =	vst v6;
	v6 =	vmul.f32 $1.131370830e+01, v8  }
0xb4: {  	[tilespmem:s30+$0x190] =	vst v5;
	v0 =	vmul.f32 $1.131370830e+01, v0  }
0xb5: {  	[tilespmem:s30+$0x1A0] =	vst v6;
	v1 =	vmul.f32 $1.131370830e+01, v1  }
0xb6: {  	[tilespmem:s30+$0x1B0] =	vst v0;
	v0 =	vmul.f32 $1.131370830e+01, v2  }
0xb7: {  	[tilespmem:s30+$0x1C0] =	vst v1;
	v1 =	vmul.f32 $1.131370830e+01, v3  }
0xb8: {  	s0 =	sadd.s32 s7, s29;
	v2 =	vmul.f32 $1.131370830e+01, v4;
	[tilespmem:s30+$0x1D0] =	vst v0  }
0xb9: {  	s0 =	sshll.u32 s0, $0x4;
	[tilespmem:s30+$0x1E0] =	vst v1  }
0xba: {  	s0 =	sadd.s32 s3, s0;
	[tilespmem:s30+$0x0] =	vst v2  }
0xbb: {  	[hbm4b:s0+s4] =	stream.linear.scatter [tilespmem:s16], [sflag:$0x2], $0x4000, $0x38;
	[tilespmem:$0x15C00] =	vst v63  }
0xbc: {  	_ =	swait.ge [sflag:s21], $0x4000  }
0xbd: {  	[sflag:s21] =	ssyncset.done $0x0  }
0xbe: {  	[sflag:s21] =	ssyncadd.s32 $0xFFFFC000  }
0xbf: {  	_ =	swait.ge [sflag:s23], $0x4000  }
0xc0: {  	s29 =	simm.s32 @!p0 $0x80;
	[sflag:s23] =	ssyncset.done $0x0  }
0xc1: {  	s30 =	simm.s32 @!p0 $0x5C00;
	s0 =	sadd.s32 @!p0 $0x300, s28;
	[sflag:s23] =	ssyncadd.s32 $0xFFFFC000  }
0xc2: {  	[tilespmem:s30], [sflag:$0x1] =	stream.indirect.gather @!p0 [hbm4b:s2+s29], $0x80, s0, s29, $0xb8;
	[tilespmem:$0x15C00] =	vst v63  }
0xc3: {  	s30 =	simm.s32 $0x9C00  }
0xc4: {  	v0 =	vld [tilespmem:s30+$0x1F0]  }
0xc5: {  	v1 =	vld [tilespmem:s30+$0x10]  }
0xc6: {  	v2 =	vld [tilespmem:s30+$0x20]  }
0xc7: {  	v3 =	vld [tilespmem:s30+$0x30]  }
0xc8: {  	v6 =	vld [tilespmem:s30+$0x60]  }
0xc9: {  	v4 =	vld [tilespmem:s30+$0x40]  }
0xca: {  	v5 =	vld [tilespmem:s30+$0x50];
	v0 =	vmul.f32 $1.131370830e+01, v0  }
0xcb: {  	v8 =	vld [tilespmem:s30+$0x80];
	v1 =	vmul.f32 $1.131370830e+01, v1  }
0xcc: {  	v7 =	vld [tilespmem:s30+$0x70];
	v2 =	vmul.f32 $1.131370830e+01, v2;
	[tilespmem:s30+$0x1F0] =	vst v0  }
0xcd: {  	v6 =	vmul.f32 $1.131370830e+01, v6;
	v0 =	vld [tilespmem:s30+$0x90];
	[tilespmem:s30+$0x10] =	vst v1  }
0xce: {  	v1 =	vmul.f32 $1.131370830e+01, v3;
	v3 =	vld [tilespmem:s30+$0xA0];
	[tilespmem:s30+$0x20] =	vst v2;
	v2 =	vmul.f32 $1.131370830e+01, v4  }
0xcf: {  	[tilespmem:s30+$0x60] =	vst v6;
	v6 =	vld [tilespmem:s30+$0xF0]  }
0xd0: {  	v4 =	vld [tilespmem:s30+$0xB0];
	[tilespmem:s30+$0x40] =	vst v2;
	v2 =	vmul.f32 $1.131370830e+01, v8  }
0xd1: {  	[tilespmem:s30+$0x30] =	vst v1;
	v1 =	vmul.f32 $1.131370830e+01, v5;
	v5 =	vld [tilespmem:s30+$0xC0]  }
0xd2: {  	v8 =	vld [tilespmem:s30+$0xD0];
	[tilespmem:s30+$0x80] =	vst v2;
	v2 =	vmul.f32 $1.131370830e+01, v7  }
0xd3: {  	[tilespmem:s30+$0x50] =	vst v1;
	v1 =	vld [tilespmem:s30+$0xE0];
	v0 =	vmul.f32 $1.131370830e+01, v0  }
0xd4: {  	v7 =	vld [tilespmem:s30+$0x130];
	v6 =	vmul.f32 $1.131370830e+01, v6;
	[tilespmem:s30+$0x70] =	vst v2  }
0xd5: {  	v2 =	vmul.f32 $1.131370830e+01, v3;
	v3 =	vld [tilespmem:s30+$0x100];
	[tilespmem:s30+$0x90] =	vst v0  }
0xd6: {  	v0 =	vmul.f32 $1.131370830e+01, v4;
	v4 =	vld [tilespmem:s30+$0x110];
	[tilespmem:s30+$0xF0] =	vst v6  }
0xd7: {  	[tilespmem:s30+$0xA0] =	vst v2;
	v2 =	vmul.f32 $1.131370830e+01, v5;
	v5 =	vld [tilespmem:s30+$0x120]  }
0xd8: {  	v6 =	vld [tilespmem:s30+$0x180];
	[tilespmem:s30+$0xB0] =	vst v0;
	v0 =	vmul.f32 $1.131370830e+01, v8  }
0xd9: {  	v1 =	vmul.f32 $1.131370830e+01, v1;
	[tilespmem:s30+$0xC0] =	vst v2;
	v2 =	vld [tilespmem:s30+$0x140]  }
0xda: {  	[tilespmem:s30+$0xD0] =	vst v0;
	v0 =	vmul.f32 $1.131370830e+01, v3;
	v3 =	vld [tilespmem:s30+$0x150]  }
0xdb: {  	[tilespmem:s30+$0xE0] =	vst v1;
	v1 =	vld [tilespmem:s30+$0x160];
	v4 =	vmul.f32 $1.131370830e+01, v4  }
0xdc: {  	[tilespmem:s30+$0x100] =	vst v0;
	v0 =	vmul.f32 $1.131370830e+01, v5;
	v5 =	vld [tilespmem:s30+$0x170]  }
0xdd: {  	v6 =	vmul.f32 $1.131370830e+01, v6;
	[tilespmem:s30+$0x110] =	vst v4  }
0xde: {  	v4 =	vmul.f32 $1.131370830e+01, v7;
	v7 =	vld [tilespmem:s30+$0x190];
	[tilespmem:s30+$0x120] =	vst v0;
	v0 =	vmul.f32 $1.131370830e+01, v2  }
0xdf: {  	v8 =	vld [tilespmem:s30+$0x1A0];
	[tilespmem:s30+$0x180] =	vst v6;
	v2 =	vmul.f32 $1.131370830e+01, v3  }
0xe0: {  	v3 =	vmul.f32 $1.131370830e+01, v1;
	[tilespmem:s30+$0x140] =	vst v0;
	v0 =	vld [tilespmem:s30+$0x1B0]  }
0xe1: {  	v1 =	vld [tilespmem:s30+$0x1C0];
	[tilespmem:s30+$0x150] =	vst v2;
	v2 =	vmul.f32 $1.131370830e+01, v5  }
0xe2: {  	[tilespmem:s30+$0x160] =	vst v3;
	v3 =	vld [tilespmem:s30+$0x1D0]  }
0xe3: {  	v5 =	vmul.f32 $1.131370830e+01, v7;
	[tilespmem:s30+$0x170] =	vst v2;
	v2 =	vld [tilespmem:s30+$0x1E0]  }
0xe4: {  	s29 =	simm.s32 $0x0;
	s0 =	simm.s32 $0x9E00;
	v6 =	vmul.f32 $1.131370830e+01, v8;
	[tilespmem:s30+$0x130] =	vst v4;
	v4 =	vld [tilespmem:s30+$0x0]  }
.LBB2_7:
0xe5: {  	v7 =	vld [tilespmem:s0+$0x1F0];
	s29 =	sadd.s32 $0x4, s29;
	[tilespmem:s30+$0x190] =	vst v5;
	v0 =	vmul.f32 $1.131370830e+01, v0  }
0xe6: {  	v5 =	vld [tilespmem:s0+$0x10];
	p1 =	slt.u32 s29, $0x7C;
	[tilespmem:s30+$0x1A0] =	vst v6;
	v1 =	vmul.f32 $1.131370830e+01, v1  }
0xe7: {  	v6 =	vld [tilespmem:s0+$0x20];
	[tilespmem:s30+$0x1B0] =	vst v0;
	v0 =	vmul.f32 $1.131370830e+01, v3  }
0xe8: {  	v3 =	vld [tilespmem:s0+$0x30];
	[tilespmem:s30+$0x1C0] =	vst v1;
	v1 =	vmul.f32 $1.131370830e+01, v2  }
0xe9: {  	v2 =	vld [tilespmem:s0+$0x40];
	v4 =	vmul.f32 $1.131370830e+01, v4;
	[tilespmem:s30+$0x1D0] =	vst v0  }
0xea: {  	v0 =	vld [tilespmem:s0+$0x50];
	v7 =	vmul.f32 $1.131370830e+01, v7;
	[tilespmem:s30+$0x1E0] =	vst v1  }
0xeb: {  	v1 =	vmul.f32 $1.131370830e+01, v5;
	v5 =	vld [tilespmem:s0+$0x60];
	[tilespmem:s30+$0x0] =	vst v4;
	s30 =	smov.u32 s0  }
0xec: {  	v4 =	vmul.f32 $1.131370830e+01, v6;
	v6 =	vld [tilespmem:s0+$0x70];
	[tilespmem:s0+$0x1F0] =	vst v7  }
0xed: {  	[tilespmem:s0+$0x10] =	vst v1;
	v1 =	vmul.f32 $1.131370830e+01, v3;
	v3 =	vld [tilespmem:s0+$0x80]  }
0xee: {  	[tilespmem:s0+$0x20] =	vst v4;
	v2 =	vmul.f32 $1.131370830e+01, v2;
	v4 =	vld [tilespmem:s0+$0x90]  }
0xef: {  	[tilespmem:s0+$0x30] =	vst v1;
	v0 =	vmul.f32 $1.131370830e+01, v0;
	v1 =	vld [tilespmem:s0+$0xA0]  }
0xf0: {  	[tilespmem:s0+$0x40] =	vst v2;
	v2 =	vmul.f32 $1.131370830e+01, v5;
	v5 =	vld [tilespmem:s0+$0xB0]  }
0xf1: {  	[tilespmem:s0+$0x50] =	vst v0;
	v0 =	vmul.f32 $1.131370830e+01, v6;
	v6 =	vld [tilespmem:s0+$0xC0]  }
0xf2: {  	[tilespmem:s0+$0x60] =	vst v2;
	v2 =	vmul.f32 $1.131370830e+01, v3;
	v3 =	vld [tilespmem:s0+$0xD0]  }
0xf3: {  	[tilespmem:s0+$0x70] =	vst v0;
	v0 =	vmul.f32 $1.131370830e+01, v4;
	v4 =	vld [tilespmem:s0+$0xE0]  }
0xf4: {  	[tilespmem:s0+$0x80] =	vst v2;
	v1 =	vmul.f32 $1.131370830e+01, v1;
	v2 =	vld [tilespmem:s0+$0xF0]  }
0xf5: {  	[tilespmem:s0+$0x90] =	vst v0;
	v0 =	vmul.f32 $1.131370830e+01, v5;
	v5 =	vld [tilespmem:s0+$0x100]  }
0xf6: {  	[tilespmem:s0+$0xA0] =	vst v1;
	v1 =	vmul.f32 $1.131370830e+01, v6;
	v6 =	vld [tilespmem:s0+$0x110]  }
0xf7: {  	[tilespmem:s0+$0xB0] =	vst v0;
	v0 =	vmul.f32 $1.131370830e+01, v3;
	v3 =	vld [tilespmem:s0+$0x120]  }
0xf8: {  	[tilespmem:s0+$0xC0] =	vst v1;
	v1 =	vmul.f32 $1.131370830e+01, v4;
	v4 =	vld [tilespmem:s0+$0x130]  }
0xf9: {  	[tilespmem:s0+$0xD0] =	vst v0;
	v0 =	vmul.f32 $1.131370830e+01, v2;
	v2 =	vld [tilespmem:s0+$0x140]  }
0xfa: {  	[tilespmem:s0+$0xE0] =	vst v1;
	v1 =	vmul.f32 $1.131370830e+01, v5;
	v5 =	vld [tilespmem:s0+$0x150]  }
0xfb: {  	[tilespmem:s0+$0xF0] =	vst v0;
	v0 =	vmul.f32 $1.131370830e+01, v6;
	v6 =	vld [tilespmem:s0+$0x160]  }
0xfc: {  	[tilespmem:s0+$0x100] =	vst v1;
	v1 =	vmul.f32 $1.131370830e+01, v3;
	v3 =	vld [tilespmem:s0+$0x170]  }
0xfd: {  	[tilespmem:s0+$0x110] =	vst v0;
	v0 =	vmul.f32 $1.131370830e+01, v4;
	v4 =	vld [tilespmem:s0+$0x180]  }
0xfe: {  	[tilespmem:s0+$0x120] =	vst v1;
	v1 =	vmul.f32 $1.131370830e+01, v2;
	v2 =	vld [tilespmem:s0+$0x190]  }
0xff: {  	[tilespmem:s0+$0x130] =	vst v0;
	v5 =	vmul.f32 $1.131370830e+01, v5;
	v7 =	vld [tilespmem:s0+$0x1A0]  }
.Ltmp2:
0x100: {  	[tilespmem:s0+$0x140] =	vst v1;
	v6 =	vmul.f32 $1.131370830e+01, v6;
	v0 =	vld [tilespmem:s0+$0x1B0];
	(pc) =	sbr.rel @p1 .LBB2_7-.Ltmp2, $4  }
0x101: {  	[tilespmem:s0+$0x150] =	vst v5;
	v5 =	vmul.f32 $1.131370830e+01, v3;
	v1 =	vld [tilespmem:s0+$0x1C0]  }
0x102: {  	[tilespmem:s0+$0x160] =	vst v6;
	v6 =	vmul.f32 $1.131370830e+01, v4;
	v3 =	vld [tilespmem:s0+$0x1D0]  }
0x103: {  	[tilespmem:s0+$0x170] =	vst v5;
	v5 =	vmul.f32 $1.131370830e+01, v2;
	v2 =	vld [tilespmem:s0+$0x1E0]  }
0x104: {  	s0 =	sadd.s32 $0x200, s0;
	v4 =	vld [tilespmem:s30+$0x0];
	[tilespmem:s30+$0x180] =	vst v6;
	v6 =	vmul.f32 $1.131370830e+01, v7  }
0x105: {  	[tilespmem:s30+$0x190] =	vst v5;
	v0 =	vmul.f32 $1.131370830e+01, v0  }
0x106: {  	[tilespmem:s30+$0x1A0] =	vst v6;
	v1 =	vmul.f32 $1.131370830e+01, v1  }
0x107: {  	s29 =	smul.u32 $0x280000, s25;
	[tilespmem:s30+$0x1B0] =	vst v0;
	v0 =	vmul.f32 $1.131370830e+01, v3  }
0x108: {  	[tilespmem:s30+$0x1C0] =	vst v1;
	v1 =	vmul.f32 $1.131370830e+01, v2  }
0x109: {  	s0 =	sadd.s32 s8, s29;
	v2 =	vmul.f32 $1.131370830e+01, v4;
	[tilespmem:s30+$0x1D0] =	vst v0  }
0x10a: {  	s0 =	sshrl.u32 s0, $0x3;
	[tilespmem:s30+$0x1E0] =	vst v1  }
0x10b: {  	s0 =	sadd.s32 s3, s0;
	[tilespmem:s30+$0x0] =	vst v2  }
0x10c: {  	[hbm4b:s0+s4] =	stream.linear.scatter [tilespmem:s18], [sflag:$0x2], $0x4000, $0x38;
	[tilespmem:$0x15C00] =	vst v63  }
0x10d: {  	_ =	swait.ge [sflag:s21], $0x4000  }
0x10e: {  	[sflag:s21] =	ssyncset.done $0x0  }
0x10f: {  	[sflag:s21] =	ssyncadd.s32 $0xFFFFC000  }
0x110: {  	_ =	swait.ge [sflag:s23], $0x4000  }
0x111: {  	s31 =	simm.s32 @!p0 $0x9C00;
	[sflag:s23] =	ssyncset.done $0x0  }
0x112: {  	s30 =	simm.s32 @!p0 $0x80;
	s0 =	sadd.s32 @!p0 $0x380, s28;
	[sflag:s23] =	ssyncadd.s32 $0xFFFFC000  }
0x113: {  	[tilespmem:s31], [sflag:$0x1] =	stream.indirect.gather @!p0 [hbm4b:s2+s30], $0x80, s0, s30, $0xb8;
	[tilespmem:$0x15C00] =	vst v63  }
0x114: {  	s30 =	simm.s32 $0xDC00  }
0x115: {  	v0 =	vld [tilespmem:s30+$0x1F0]  }
0x116: {  	v1 =	vld [tilespmem:s30+$0x10]  }
0x117: {  	v2 =	vld [tilespmem:s30+$0x20]  }
0x118: {  	v3 =	vld [tilespmem:s30+$0x30]  }
0x119: {  	v6 =	vld [tilespmem:s30+$0x60]  }
0x11a: {  	v4 =	vld [tilespmem:s30+$0x40]  }
0x11b: {  	v5 =	vld [tilespmem:s30+$0x50];
	v0 =	vmul.f32 $1.131370830e+01, v0  }
0x11c: {  	v8 =	vld [tilespmem:s30+$0x80];
	v1 =	vmul.f32 $1.131370830e+01, v1  }
0x11d: {  	v7 =	vld [tilespmem:s30+$0x70];
	v2 =	vmul.f32 $1.131370830e+01, v2;
	[tilespmem:s30+$0x1F0] =	vst v0  }
0x11e: {  	v6 =	vmul.f32 $1.131370830e+01, v6;
	v0 =	vld [tilespmem:s30+$0x90];
	[tilespmem:s30+$0x10] =	vst v1  }
0x11f: {  	v1 =	vmul.f32 $1.131370830e+01, v3;
	v3 =	vld [tilespmem:s30+$0xA0];
	[tilespmem:s30+$0x20] =	vst v2;
	v2 =	vmul.f32 $1.131370830e+01, v4  }
0x120: {  	[tilespmem:s30+$0x60] =	vst v6;
	v6 =	vld [tilespmem:s30+$0xF0]  }
0x121: {  	v4 =	vld [tilespmem:s30+$0xB0];
	[tilespmem:s30+$0x40] =	vst v2;
	v2 =	vmul.f32 $1.131370830e+01, v8  }
0x122: {  	[tilespmem:s30+$0x30] =	vst v1;
	v1 =	vmul.f32 $1.131370830e+01, v5;
	v5 =	vld [tilespmem:s30+$0xC0]  }
0x123: {  	v8 =	vld [tilespmem:s30+$0xD0];
	[tilespmem:s30+$0x80] =	vst v2;
	v2 =	vmul.f32 $1.131370830e+01, v7  }
0x124: {  	[tilespmem:s30+$0x50] =	vst v1;
	v1 =	vld [tilespmem:s30+$0xE0];
	v0 =	vmul.f32 $1.131370830e+01, v0  }
0x125: {  	v7 =	vld [tilespmem:s30+$0x130];
	v6 =	vmul.f32 $1.131370830e+01, v6;
	[tilespmem:s30+$0x70] =	vst v2  }
0x126: {  	v2 =	vmul.f32 $1.131370830e+01, v3;
	v3 =	vld [tilespmem:s30+$0x100];
	[tilespmem:s30+$0x90] =	vst v0  }
0x127: {  	v0 =	vmul.f32 $1.131370830e+01, v4;
	v4 =	vld [tilespmem:s30+$0x110];
	[tilespmem:s30+$0xF0] =	vst v6  }
0x128: {  	[tilespmem:s30+$0xA0] =	vst v2;
	v2 =	vmul.f32 $1.131370830e+01, v5;
	v5 =	vld [tilespmem:s30+$0x120]  }
0x129: {  	v6 =	vld [tilespmem:s30+$0x180];
	[tilespmem:s30+$0xB0] =	vst v0;
	v0 =	vmul.f32 $1.131370830e+01, v8  }
0x12a: {  	v1 =	vmul.f32 $1.131370830e+01, v1;
	[tilespmem:s30+$0xC0] =	vst v2;
	v2 =	vld [tilespmem:s30+$0x140]  }
0x12b: {  	[tilespmem:s30+$0xD0] =	vst v0;
	v0 =	vmul.f32 $1.131370830e+01, v3  }
0x12c: {  	v3 =	vld [tilespmem:s30+$0x150];
	[tilespmem:s30+$0xE0] =	vst v1;
	v4 =	vmul.f32 $1.131370830e+01, v4  }
0x12d: {  	v1 =	vld [tilespmem:s30+$0x160];
	[tilespmem:s30+$0x100] =	vst v0;
	v0 =	vmul.f32 $1.131370830e+01, v5  }
0x12e: {  	v6 =	vmul.f32 $1.131370830e+01, v6;
	v5 =	vld [tilespmem:s30+$0x170];
	[tilespmem:s30+$0x110] =	vst v4  }
0x12f: {  	v4 =	vmul.f32 $1.131370830e+01, v7;
	v7 =	vld [tilespmem:s30+$0x190];
	[tilespmem:s30+$0x120] =	vst v0;
	v0 =	vmul.f32 $1.131370830e+01, v2  }
0x130: {  	v8 =	vld [tilespmem:s30+$0x1A0];
	[tilespmem:s30+$0x180] =	vst v6  }
0x131: {  	v2 =	vmul.f32 $1.131370830e+01, v3;
	[tilespmem:s30+$0x140] =	vst v0;
	v0 =	vld [tilespmem:s30+$0x1B0]  }
0x132: {  	[tilespmem:s30+$0x130] =	vst v4;
	v3 =	vmul.f32 $1.131370830e+01, v1;
	v1 =	vld [tilespmem:s30+$0x1C0]  }
0x133: {  	[tilespmem:s30+$0x150] =	vst v2;
	v4 =	vmul.f32 $1.131370830e+01, v5;
	v2 =	vld [tilespmem:s30+$0x1D0]  }
0x134: {  	[tilespmem:s30+$0x160] =	vst v3;
	v3 =	vld [tilespmem:s30+$0x1E0];
	v5 =	vmul.f32 $1.131370830e+01, v7  }
0x135: {  	s31 =	simm.s32 $0x0;
	s0 =	simm.s32 $0xDE00;
	v6 =	vmul.f32 $1.131370830e+01, v8;
	[tilespmem:s30+$0x170] =	vst v4;
	v4 =	vld [tilespmem:s30+$0x0]  }
.LBB2_9:
0x136: {  	v7 =	vld [tilespmem:s0+$0x1F0];
	s31 =	sadd.s32 $0x4, s31;
	[tilespmem:s30+$0x190] =	vst v5;
	v0 =	vmul.f32 $1.131370830e+01, v0  }
0x137: {  	v5 =	vld [tilespmem:s0+$0x10];
	p1 =	slt.u32 s31, $0x7C;
	[tilespmem:s30+$0x1A0] =	vst v6;
	v1 =	vmul.f32 $1.131370830e+01, v1  }
0x138: {  	v6 =	vld [tilespmem:s0+$0x20];
	[tilespmem:s30+$0x1B0] =	vst v0;
	v0 =	vmul.f32 $1.131370830e+01, v2  }
0x139: {  	v2 =	vld [tilespmem:s0+$0x30];
	[tilespmem:s30+$0x1C0] =	vst v1;
	v1 =	vmul.f32 $1.131370830e+01, v3  }
0x13a: {  	v3 =	vld [tilespmem:s0+$0x40];
	v4 =	vmul.f32 $1.131370830e+01, v4;
	[tilespmem:s30+$0x1D0] =	vst v0  }
0x13b: {  	v0 =	vld [tilespmem:s0+$0x50];
	v7 =	vmul.f32 $1.131370830e+01, v7;
	[tilespmem:s30+$0x1E0] =	vst v1  }
0x13c: {  	v1 =	vmul.f32 $1.131370830e+01, v5;
	v5 =	vld [tilespmem:s0+$0x60];
	[tilespmem:s30+$0x0] =	vst v4;
	s30 =	smov.u32 s0  }
0x13d: {  	v4 =	vmul.f32 $1.131370830e+01, v6;
	v6 =	vld [tilespmem:s0+$0x70];
	[tilespmem:s0+$0x1F0] =	vst v7  }
0x13e: {  	[tilespmem:s0+$0x10] =	vst v1;
	v1 =	vmul.f32 $1.131370830e+01, v2;
	v2 =	vld [tilespmem:s0+$0x80]  }
0x13f: {  	[tilespmem:s0+$0x20] =	vst v4;
	v3 =	vmul.f32 $1.131370830e+01, v3;
	v4 =	vld [tilespmem:s0+$0x90]  }
0x140: {  	[tilespmem:s0+$0x30] =	vst v1;
	v0 =	vmul.f32 $1.131370830e+01, v0;
	v1 =	vld [tilespmem:s0+$0xA0]  }
0x141: {  	[tilespmem:s0+$0x40] =	vst v3;
	v3 =	vmul.f32 $1.131370830e+01, v5;
	v5 =	vld [tilespmem:s0+$0xB0]  }
0x142: {  	[tilespmem:s0+$0x50] =	vst v0;
	v0 =	vmul.f32 $1.131370830e+01, v6;
	v6 =	vld [tilespmem:s0+$0xC0]  }
0x143: {  	[tilespmem:s0+$0x60] =	vst v3;
	v2 =	vmul.f32 $1.131370830e+01, v2;
	v3 =	vld [tilespmem:s0+$0xD0]  }
0x144: {  	[tilespmem:s0+$0x70] =	vst v0;
	v0 =	vmul.f32 $1.131370830e+01, v4;
	v4 =	vld [tilespmem:s0+$0xE0]  }
0x145: {  	[tilespmem:s0+$0x80] =	vst v2;
	v1 =	vmul.f32 $1.131370830e+01, v1;
	v2 =	vld [tilespmem:s0+$0xF0]  }
0x146: {  	[tilespmem:s0+$0x90] =	vst v0;
	v0 =	vmul.f32 $1.131370830e+01, v5;
	v5 =	vld [tilespmem:s0+$0x100]  }
0x147: {  	[tilespmem:s0+$0xA0] =	vst v1;
	v1 =	vmul.f32 $1.131370830e+01, v6;
	v6 =	vld [tilespmem:s0+$0x110]  }
0x148: {  	[tilespmem:s0+$0xB0] =	vst v0;
	v0 =	vmul.f32 $1.131370830e+01, v3;
	v3 =	vld [tilespmem:s0+$0x120]  }
0x149: {  	[tilespmem:s0+$0xC0] =	vst v1;
	v1 =	vmul.f32 $1.131370830e+01, v4;
	v4 =	vld [tilespmem:s0+$0x130]  }
0x14a: {  	[tilespmem:s0+$0xD0] =	vst v0;
	v0 =	vmul.f32 $1.131370830e+01, v2;
	v2 =	vld [tilespmem:s0+$0x140]  }
0x14b: {  	[tilespmem:s0+$0xE0] =	vst v1;
	v1 =	vmul.f32 $1.131370830e+01, v5;
	v5 =	vld [tilespmem:s0+$0x150]  }
0x14c: {  	[tilespmem:s0+$0xF0] =	vst v0;
	v0 =	vmul.f32 $1.131370830e+01, v6;
	v6 =	vld [tilespmem:s0+$0x160]  }
0x14d: {  	[tilespmem:s0+$0x100] =	vst v1;
	v1 =	vmul.f32 $1.131370830e+01, v3;
	v3 =	vld [tilespmem:s0+$0x170]  }
0x14e: {  	[tilespmem:s0+$0x110] =	vst v0;
	v0 =	vmul.f32 $1.131370830e+01, v4;
	v4 =	vld [tilespmem:s0+$0x180]  }
0x14f: {  	[tilespmem:s0+$0x120] =	vst v1;
	v1 =	vmul.f32 $1.131370830e+01, v2;
	v7 =	vld [tilespmem:s0+$0x190]  }
0x150: {  	[tilespmem:s0+$0x130] =	vst v0;
	v2 =	vmul.f32 $1.131370830e+01, v5;
	v8 =	vld [tilespmem:s0+$0x1A0]  }
.Ltmp3:
0x151: {  	[tilespmem:s0+$0x140] =	vst v1;
	v5 =	vmul.f32 $1.131370830e+01, v6;
	v0 =	vld [tilespmem:s0+$0x1B0];
	(pc) =	sbr.rel @p1 .LBB2_9-.Ltmp3, $4  }
0x152: {  	[tilespmem:s0+$0x150] =	vst v2;
	v3 =	vmul.f32 $1.131370830e+01, v3;
	v1 =	vld [tilespmem:s0+$0x1C0]  }
0x153: {  	[tilespmem:s0+$0x160] =	vst v5;
	v6 =	vmul.f32 $1.131370830e+01, v4;
	v2 =	vld [tilespmem:s0+$0x1D0]  }
0x154: {  	[tilespmem:s0+$0x170] =	vst v3;
	v5 =	vmul.f32 $1.131370830e+01, v7;
	v3 =	vld [tilespmem:s0+$0x1E0]  }
0x155: {  	s0 =	sadd.s32 $0x200, s0;
	v4 =	vld [tilespmem:s30+$0x0];
	[tilespmem:s30+$0x180] =	vst v6;
	v6 =	vmul.f32 $1.131370830e+01, v8  }
0x156: {  	[tilespmem:s30+$0x190] =	vst v5;
	v0 =	vmul.f32 $1.131370830e+01, v0  }
0x157: {  	[tilespmem:s30+$0x1A0] =	vst v6;
	v1 =	vmul.f32 $1.131370830e+01, v1  }
0x158: {  	[tilespmem:s30+$0x1B0] =	vst v0;
	v0 =	vmul.f32 $1.131370830e+01, v2  }
0x159: {  	[tilespmem:s30+$0x1C0] =	vst v1;
	v1 =	vmul.f32 $1.131370830e+01, v3  }
0x15a: {  	s0 =	sadd.s32 s9, s29;
	v2 =	vmul.f32 $1.131370830e+01, v4;
	[tilespmem:s30+$0x1D0] =	vst v0  }
0x15b: {  	s0 =	sshrl.u32 s0, $0x3;
	[tilespmem:s30+$0x1E0] =	vst v1  }
0x15c: {  	s0 =	sadd.s32 s3, s0;
	[tilespmem:s30+$0x0] =	vst v2  }
0x15d: {  	[hbm4b:s0+s4] =	stream.linear.scatter [tilespmem:s20], [sflag:$0x2], $0x4000, $0x38;
	[tilespmem:$0x15C00] =	vst v63  }
0x15e: {  	_ =	swait.ge [sflag:s21], $0x4000  }
0x15f: {  	[sflag:s21] =	ssyncset.done $0x0  }
0x160: {  	[sflag:s21] =	ssyncadd.s32 $0xFFFFC000  }
0x161: {  	_ =	swait.ge [sflag:s23], $0x4000  }
0x162: {  	s29 =	simm.s32 @!p0 $0xDC00;
	[sflag:s23] =	ssyncset.done $0x0  }
0x163: {  	s0 =	sadd.s32 @!p0 $0x400, s28;
	s28 =	simm.s32 @!p0 $0x80;
	[sflag:s23] =	ssyncadd.s32 $0xFFFFC000  }
0x164: {  	[tilespmem:s29], [sflag:$0x1] =	stream.indirect.gather @!p0 [hbm4b:s2+s28], $0x80, s0, s28, $0xb8;
	[tilespmem:$0x15C00] =	vst v63  }
0x165: {  	s28 =	simm.s32 $0x11C00  }
0x166: {  	v0 =	vld [tilespmem:s28+$0x1F0]  }
0x167: {  	v1 =	vld [tilespmem:s28+$0x10]  }
0x168: {  	v2 =	vld [tilespmem:s28+$0x20]  }
0x169: {  	v3 =	vld [tilespmem:s28+$0x30]  }
0x16a: {  	v6 =	vld [tilespmem:s28+$0x60]  }
0x16b: {  	v4 =	vld [tilespmem:s28+$0x40]  }
0x16c: {  	v5 =	vld [tilespmem:s28+$0x50];
	v0 =	vmul.f32 $1.131370830e+01, v0  }
0x16d: {  	v8 =	vld [tilespmem:s28+$0x80];
	v1 =	vmul.f32 $1.131370830e+01, v1  }
0x16e: {  	v7 =	vld [tilespmem:s28+$0x70];
	v2 =	vmul.f32 $1.131370830e+01, v2;
	[tilespmem:s28+$0x1F0] =	vst v0  }
0x16f: {  	v6 =	vmul.f32 $1.131370830e+01, v6;
	v0 =	vld [tilespmem:s28+$0x90];
	[tilespmem:s28+$0x10] =	vst v1  }
0x170: {  	v1 =	vmul.f32 $1.131370830e+01, v3;
	v3 =	vld [tilespmem:s28+$0xA0];
	[tilespmem:s28+$0x20] =	vst v2;
	v2 =	vmul.f32 $1.131370830e+01, v4  }
0x171: {  	[tilespmem:s28+$0x60] =	vst v6;
	v6 =	vld [tilespmem:s28+$0xF0]  }
0x172: {  	v4 =	vld [tilespmem:s28+$0xB0];
	[tilespmem:s28+$0x40] =	vst v2;
	v2 =	vmul.f32 $1.131370830e+01, v8  }
0x173: {  	[tilespmem:s28+$0x30] =	vst v1;
	v1 =	vmul.f32 $1.131370830e+01, v5;
	v5 =	vld [tilespmem:s28+$0xC0]  }
0x174: {  	v8 =	vld [tilespmem:s28+$0xD0];
	[tilespmem:s28+$0x80] =	vst v2;
	v2 =	vmul.f32 $1.131370830e+01, v7  }
0x175: {  	[tilespmem:s28+$0x50] =	vst v1;
	v1 =	vld [tilespmem:s28+$0xE0];
	v0 =	vmul.f32 $1.131370830e+01, v0  }
0x176: {  	v7 =	vld [tilespmem:s28+$0x130];
	v6 =	vmul.f32 $1.131370830e+01, v6;
	[tilespmem:s28+$0x70] =	vst v2  }
0x177: {  	v2 =	vmul.f32 $1.131370830e+01, v3;
	v3 =	vld [tilespmem:s28+$0x100];
	[tilespmem:s28+$0x90] =	vst v0  }
0x178: {  	v0 =	vmul.f32 $1.131370830e+01, v4;
	v4 =	vld [tilespmem:s28+$0x110];
	[tilespmem:s28+$0xF0] =	vst v6  }
0x179: {  	[tilespmem:s28+$0xA0] =	vst v2;
	v2 =	vmul.f32 $1.131370830e+01, v5;
	v5 =	vld [tilespmem:s28+$0x120]  }
0x17a: {  	v6 =	vld [tilespmem:s28+$0x180];
	[tilespmem:s28+$0xB0] =	vst v0;
	v0 =	vmul.f32 $1.131370830e+01, v8  }
0x17b: {  	v1 =	vmul.f32 $1.131370830e+01, v1;
	[tilespmem:s28+$0xC0] =	vst v2;
	v2 =	vld [tilespmem:s28+$0x140]  }
0x17c: {  	[tilespmem:s28+$0xD0] =	vst v0;
	v0 =	vmul.f32 $1.131370830e+01, v3  }
0x17d: {  	v3 =	vld [tilespmem:s28+$0x150];
	[tilespmem:s28+$0xE0] =	vst v1;
	v4 =	vmul.f32 $1.131370830e+01, v4  }
0x17e: {  	v1 =	vld [tilespmem:s28+$0x160];
	[tilespmem:s28+$0x100] =	vst v0;
	v0 =	vmul.f32 $1.131370830e+01, v5  }
0x17f: {  	v6 =	vmul.f32 $1.131370830e+01, v6;
	v5 =	vld [tilespmem:s28+$0x170];
	[tilespmem:s28+$0x110] =	vst v4  }
0x180: {  	v4 =	vmul.f32 $1.131370830e+01, v7;
	v7 =	vld [tilespmem:s28+$0x190];
	[tilespmem:s28+$0x120] =	vst v0;
	v0 =	vmul.f32 $1.131370830e+01, v2  }
0x181: {  	v8 =	vld [tilespmem:s28+$0x1A0];
	[tilespmem:s28+$0x180] =	vst v6  }
0x182: {  	v2 =	vmul.f32 $1.131370830e+01, v3;
	[tilespmem:s28+$0x140] =	vst v0;
	v0 =	vld [tilespmem:s28+$0x1B0]  }
0x183: {  	[tilespmem:s28+$0x130] =	vst v4;
	v3 =	vmul.f32 $1.131370830e+01, v1;
	v1 =	vld [tilespmem:s28+$0x1C0]  }
0x184: {  	[tilespmem:s28+$0x150] =	vst v2;
	v4 =	vmul.f32 $1.131370830e+01, v5;
	v2 =	vld [tilespmem:s28+$0x1D0]  }
0x185: {  	[tilespmem:s28+$0x160] =	vst v3;
	v3 =	vld [tilespmem:s28+$0x1E0];
	v5 =	vmul.f32 $1.131370830e+01, v7  }
0x186: {  	s29 =	simm.s32 $0x0;
	s0 =	simm.s32 $0x11E00;
	v6 =	vmul.f32 $1.131370830e+01, v8;
	[tilespmem:s28+$0x170] =	vst v4;
	v4 =	vld [tilespmem:s28+$0x0]  }
.LBB2_11:
0x187: {  	v7 =	vld [tilespmem:s0+$0x1F0];
	s29 =	sadd.s32 $0x4, s29;
	[tilespmem:s28+$0x190] =	vst v5;
	v0 =	vmul.f32 $1.131370830e+01, v0  }
0x188: {  	v5 =	vld [tilespmem:s0+$0x10];
	p0 =	slt.u32 s29, $0x7C;
	[tilespmem:s28+$0x1A0] =	vst v6;
	v1 =	vmul.f32 $1.131370830e+01, v1  }
0x189: {  	v6 =	vld [tilespmem:s0+$0x20];
	[tilespmem:s28+$0x1B0] =	vst v0;
	v0 =	vmul.f32 $1.131370830e+01, v2  }
0x18a: {  	v2 =	vld [tilespmem:s0+$0x30];
	[tilespmem:s28+$0x1C0] =	vst v1;
	v1 =	vmul.f32 $1.131370830e+01, v3  }
0x18b: {  	v3 =	vld [tilespmem:s0+$0x40];
	v4 =	vmul.f32 $1.131370830e+01, v4;
	[tilespmem:s28+$0x1D0] =	vst v0  }
0x18c: {  	v0 =	vld [tilespmem:s0+$0x50];
	v7 =	vmul.f32 $1.131370830e+01, v7;
	[tilespmem:s28+$0x1E0] =	vst v1  }
0x18d: {  	v1 =	vmul.f32 $1.131370830e+01, v5;
	v5 =	vld [tilespmem:s0+$0x60];
	[tilespmem:s28+$0x0] =	vst v4;
	s28 =	smov.u32 s0  }
0x18e: {  	v4 =	vmul.f32 $1.131370830e+01, v6;
	v6 =	vld [tilespmem:s0+$0x70];
	[tilespmem:s0+$0x1F0] =	vst v7  }
0x18f: {  	[tilespmem:s0+$0x10] =	vst v1;
	v1 =	vmul.f32 $1.131370830e+01, v2;
	v2 =	vld [tilespmem:s0+$0x80]  }
0x190: {  	[tilespmem:s0+$0x20] =	vst v4;
	v3 =	vmul.f32 $1.131370830e+01, v3;
	v4 =	vld [tilespmem:s0+$0x90]  }
0x191: {  	[tilespmem:s0+$0x30] =	vst v1;
	v0 =	vmul.f32 $1.131370830e+01, v0;
	v1 =	vld [tilespmem:s0+$0xA0]  }
0x192: {  	[tilespmem:s0+$0x40] =	vst v3;
	v3 =	vmul.f32 $1.131370830e+01, v5;
	v5 =	vld [tilespmem:s0+$0xB0]  }
0x193: {  	[tilespmem:s0+$0x50] =	vst v0;
	v0 =	vmul.f32 $1.131370830e+01, v6;
	v6 =	vld [tilespmem:s0+$0xC0]  }
0x194: {  	[tilespmem:s0+$0x60] =	vst v3;
	v2 =	vmul.f32 $1.131370830e+01, v2;
	v3 =	vld [tilespmem:s0+$0xD0]  }
0x195: {  	[tilespmem:s0+$0x70] =	vst v0;
	v0 =	vmul.f32 $1.131370830e+01, v4;
	v4 =	vld [tilespmem:s0+$0xE0]  }
0x196: {  	[tilespmem:s0+$0x80] =	vst v2;
	v1 =	vmul.f32 $1.131370830e+01, v1;
	v2 =	vld [tilespmem:s0+$0xF0]  }
0x197: {  	[tilespmem:s0+$0x90] =	vst v0;
	v0 =	vmul.f32 $1.131370830e+01, v5;
	v5 =	vld [tilespmem:s0+$0x100]  }
0x198: {  	[tilespmem:s0+$0xA0] =	vst v1;
	v1 =	vmul.f32 $1.131370830e+01, v6;
	v6 =	vld [tilespmem:s0+$0x110]  }
0x199: {  	[tilespmem:s0+$0xB0] =	vst v0;
	v0 =	vmul.f32 $1.131370830e+01, v3;
	v3 =	vld [tilespmem:s0+$0x120]  }
0x19a: {  	[tilespmem:s0+$0xC0] =	vst v1;
	v1 =	vmul.f32 $1.131370830e+01, v4;
	v4 =	vld [tilespmem:s0+$0x130]  }
0x19b: {  	[tilespmem:s0+$0xD0] =	vst v0;
	v0 =	vmul.f32 $1.131370830e+01, v2;
	v2 =	vld [tilespmem:s0+$0x140]  }
0x19c: {  	[tilespmem:s0+$0xE0] =	vst v1;
	v1 =	vmul.f32 $1.131370830e+01, v5;
	v5 =	vld [tilespmem:s0+$0x150]  }
0x19d: {  	[tilespmem:s0+$0xF0] =	vst v0;
	v0 =	vmul.f32 $1.131370830e+01, v6;
	v6 =	vld [tilespmem:s0+$0x160]  }
0x19e: {  	[tilespmem:s0+$0x100] =	vst v1;
	v1 =	vmul.f32 $1.131370830e+01, v3;
	v3 =	vld [tilespmem:s0+$0x170]  }
0x19f: {  	[tilespmem:s0+$0x110] =	vst v0;
	v0 =	vmul.f32 $1.131370830e+01, v4;
	v4 =	vld [tilespmem:s0+$0x180]  }
0x1a0: {  	[tilespmem:s0+$0x120] =	vst v1;
	v1 =	vmul.f32 $1.131370830e+01, v2;
	v7 =	vld [tilespmem:s0+$0x190]  }
0x1a1: {  	[tilespmem:s0+$0x130] =	vst v0;
	v2 =	vmul.f32 $1.131370830e+01, v5;
	v8 =	vld [tilespmem:s0+$0x1A0]  }
.Ltmp4:
0x1a2: {  	[tilespmem:s0+$0x140] =	vst v1;
	v5 =	vmul.f32 $1.131370830e+01, v6;
	v0 =	vld [tilespmem:s0+$0x1B0];
	(pc) =	sbr.rel @p0 .LBB2_11-.Ltmp4, $4  }
0x1a3: {  	[tilespmem:s0+$0x150] =	vst v2;
	v3 =	vmul.f32 $1.131370830e+01, v3;
	v1 =	vld [tilespmem:s0+$0x1C0]  }
0x1a4: {  	[tilespmem:s0+$0x160] =	vst v5;
	v6 =	vmul.f32 $1.131370830e+01, v4;
	v2 =	vld [tilespmem:s0+$0x1D0]  }
0x1a5: {  	[tilespmem:s0+$0x170] =	vst v3;
	v5 =	vmul.f32 $1.131370830e+01, v7;
	v3 =	vld [tilespmem:s0+$0x1E0]  }
0x1a6: {  	s0 =	sadd.s32 $0x200, s0;
	v4 =	vld [tilespmem:s28+$0x0];
	[tilespmem:s28+$0x180] =	vst v6;
	v6 =	vmul.f32 $1.131370830e+01, v8  }
0x1a7: {  	[tilespmem:s28+$0x190] =	vst v5;
	v0 =	vmul.f32 $1.131370830e+01, v0  }
0x1a8: {  	s25 =	sadd.s32 $0x1, s25;
	[tilespmem:s28+$0x1A0] =	vst v6;
	v1 =	vmul.f32 $1.131370830e+01, v1  }
0x1a9: {  	p0 =	sne.s32 s25, $0xA;
	[tilespmem:s28+$0x1B0] =	vst v0;
	v61 =	vmul.f32 $1.131370830e+01, v2  }
.Ltmp5:
0x1aa: {  	[tilespmem:s28+$0x1C0] =	vst v1;
	v62 =	vmul.f32 $1.131370830e+01, v3;
	(pc) =	sbr.rel @p0 .LBB2_2-.Ltmp5, $4  }
0x1ab: {  	v63 =	vmul.f32 $1.131370830e+01, v4;
	[tilespmem:s28+$0x1D0] =	vst v61  }
0x1ac: {  	s0 =	sshll.u32 s26, $0x10;
	[tilespmem:s28+$0x1E0] =	vst v62  }
0x1ad: {  	s0 =	sadd.s32 s0, s10;
	[tilespmem:s28+$0x0] =	vst v63  }
0x1ae: {  	[hbm4b:s0+s4] =	stream.linear.scatter [tilespmem:s22], [sflag:$0x2], $0x4000, $0x38;
	[tilespmem:$0x15C00] =	vst v63  }
0x1af: {  	s24 =	sadd.s32 $0x1, s24  }
0x1b0: {  	p0 =	sne.s32 s24, s11  }
.Ltmp6:
0x1b1: {  	_ = 	snop;
	(pc) =	sbr.rel @p0 .LBB2_1-.Ltmp6, $4  }
0x1b2: {  	_ = 	snop  }
0x1b3: {  	_ =	swait.ge [sflag:s23], $0x4000  }
0x1b4: {  	[sflag:s23] =	ssyncset.done $0x0  }
0x1b5: {  	[sflag:s23] =	ssyncadd.s32 $0xFFFFC000  }
0x1b6: {  	_ =	sfence.sel $0x180000  }
0x1b7: {  	[bflag:$0x0] =	sbarrier.arrive $0xFFFF  }
0x1b8: {  	_ =	strace $0x90000047  }
0x1b9: {  	[bflag:$0x2] =	sbarrier.arrive $0xFFFF  }
0x1ba: {  	p0 =	sne.s32 s1, $0x0;
	s0 =	rddreg [dreg:$0x3]  }
0x1bb: {  	s0 =	sadd.s32 @!p0 $0x100000, s0  }
0x1bc: {  	[sflag:s0] =	ssyncadd.tile.s32 @!p0 $0x1;
	_ =	shalt  }
.Lfunc_end2:
_tile_overlayer_lowered:
.L_overlay_start_2:
0x1bd: {  	(tag) =	ssettag $0x2  }
0x1be: {  	s0 =	rddreg [dreg:$0x0];
	s2 =	stileid.u32  }
0x1bf: {  	s1 =	rddreg [dreg:$0x1];
	p0 =	sne.s32 s2, $0x0  }
0x1c0: {  	s3 =	rddreg [dreg:$0x2];
	[bflag:$0x3] =	sbarrier.arrive $0xFFFF;
	s2 =	simm.s32 @!p0 $0x1C03  }
0x1c1: {  	[timem:s3], [sflag:s2] =	dma.local @!p0 [hbm:s0], s1  }
0x1c2: {  	s0 =	simm.s32 @!p0 $0x3  }
0x1c3: {  	_ =	swait.ge @!p0 [sflag:s0], s1  }
0x1c4: {  	s1 =	ssub.s32 @!p0 $0x0, s1;
	[sflag:s0] =	ssyncset.done @!p0 $0x0  }
0x1c5: {  	[sflag:s0] =	ssyncadd.s32 @!p0 s1  }
0x1c6: {  	[bflag:$0x3] =	sbarrier.arrive $0xFFFF  }
0x1c7: {  	_ =	shalt  }

</sc_bundles>
